<compile_context>
chip_gen: v7x
topology: tpu7x:2x2x1
jax: 0.10.2.dev20260603
libtpu: 0.0.44.dev20260713+nightly
codegen_flags: <defaults>
</compile_context>

<pallas_src>
import functools

import jax
import jax.numpy as jnp
from jax import lax
from jax.experimental import pallas as pl
from jax.experimental.pallas import tpu as pltpu
from jax.experimental.pallas import tpu_sc as plsc

B = 16384
GD = 64
MD = 128
NW = 32
BPW = B // NW
CHUNK = 64
NCH = BPW // CHUNK

BS = 1024
NBLK = B // BS

_sc_mesh = plsc.VectorSubcoreMesh(core_axis_name="c", subcore_axis_name="s")


def _pipeline(base, idx_sets, tab_sets, buf_sets, fire_out, drain_out, sems):
    set0, set1 = buf_sets
    gsem0, gsem1, wsem0, wsem1 = sems

    def fire_gather(bufs, j, sem):
        for t, ix, b in zip(tab_sets, idx_sets, bufs):
            pltpu.async_copy(t.at[ix.at[pl.ds(j * CHUNK, CHUNK)]], b, sem)

    def drain_gather(bufs, sem):
        for t, b in zip(tab_sets, bufs):
            pltpu.make_async_copy(t.at[pl.ds(0, CHUNK)], b, sem).wait()

    fire_gather(set0, 0, gsem0)

    def pair(p, carry):
        j0 = 2 * p
        drain_gather(set0, gsem0)

        @pl.when(p > 0)
        def _():
            drain_out(set1, wsem1)

        fire_gather(set1, j0 + 1, gsem1)
        fire_out(set0, j0, wsem0)
        drain_gather(set1, gsem1)
        drain_out(set0, wsem0)

        @pl.when(p + 1 < NCH // 2)
        def _():
            fire_gather(set0, j0 + 2, gsem0)

        fire_out(set1, j0 + 1, wsem1)
        return carry

    lax.fori_loop(0, NCH // 2, pair, 0)
    drain_out(set1, wsem1)


@functools.partial(
    pl.kernel,
    mesh=_sc_mesh,
    compiler_params=pltpu.CompilerParams(use_tc_tiling_on_sc=False),
    out_type=(
        jax.ShapeDtypeStruct((B, MD), jnp.float32),
        jax.ShapeDtypeStruct((B, MD), jnp.float32),
        jax.ShapeDtypeStruct((B, MD), jnp.float32),
        jax.ShapeDtypeStruct((B, MD), jnp.float32),
    ),
    scratch_types=(
        pltpu.VMEM((BPW,), jnp.int32),
        pltpu.VMEM((BPW,), jnp.int32),
        pltpu.VMEM((BPW,), jnp.int32),
        pltpu.VMEM((BPW,), jnp.int32),
        pltpu.VMEM((CHUNK, MD), jnp.float32),
        pltpu.VMEM((CHUNK, MD), jnp.float32),
        pltpu.VMEM((CHUNK, MD), jnp.float32),
        pltpu.VMEM((CHUNK, MD), jnp.float32),
        pltpu.VMEM((CHUNK, MD), jnp.float32),
        pltpu.VMEM((CHUNK, MD), jnp.float32),
        pltpu.VMEM((CHUNK, MD), jnp.float32),
        pltpu.VMEM((CHUNK, MD), jnp.float32),
        pltpu.SemaphoreType.DMA,
        pltpu.SemaphoreType.DMA,
        pltpu.SemaphoreType.DMA,
        pltpu.SemaphoreType.DMA,
    ),
)
def _sc_gather_mlp(uix_h, iix_h, a1x_h, a2x_h,
                   um_t, im_t, a1_t, a2_t,
                   um_o, im_o, a1_o, a2_o,
                   uix_v, iix_v, a1x_v, a2x_v,
                   um_b0, im_b0, a1_b0, a2_b0,
                   um_b1, im_b1, a1_b1, a2_b1,
                   gsem0, gsem1, wsem0, wsem1):
    wid = lax.axis_index("s") * 2 + lax.axis_index("c")
    base = wid * BPW
    pltpu.sync_copy(uix_h.at[pl.ds(base, BPW)], uix_v)
    pltpu.sync_copy(iix_h.at[pl.ds(base, BPW)], iix_v)
    pltpu.sync_copy(a1x_h.at[pl.ds(base, BPW)], a1x_v)
    pltpu.sync_copy(a2x_h.at[pl.ds(base, BPW)], a2x_v)

    outs = (um_o, im_o, a1_o, a2_o)

    def fire_out(bufs, j, sem):
        off = base + j * CHUNK
        for b, o in zip(bufs, outs):
            pltpu.async_copy(b, o.at[pl.ds(off, CHUNK)], sem)

    def drain_out(bufs, sem):
        for b, o in zip(bufs, outs):
            pltpu.make_async_copy(b, o.at[pl.ds(base, CHUNK)], sem).wait()

    _pipeline(base,
              (uix_v, iix_v, a1x_v, a2x_v),
              (um_t, im_t, a1_t, a2_t),
              ((um_b0, im_b0, a1_b0, a2_b0), (um_b1, im_b1, a1_b1, a2_b1)),
              fire_out, drain_out,
              (gsem0, gsem1, wsem0, wsem1))


@functools.partial(
    pl.kernel,
    mesh=_sc_mesh,
    compiler_params=pltpu.CompilerParams(use_tc_tiling_on_sc=False),
    out_type=jax.ShapeDtypeStruct((B, 2 * GD), jnp.float32),
    scratch_types=(
        pltpu.VMEM((BPW,), jnp.int32),
        pltpu.VMEM((BPW,), jnp.int32),
        pltpu.VMEM((CHUNK, 2 * GD), jnp.float32),
        pltpu.VMEM((CHUNK, 2 * GD), jnp.float32),
        pltpu.VMEM((CHUNK, 2 * GD), jnp.float32),
        pltpu.VMEM((CHUNK, 2 * GD), jnp.float32),
        pltpu.SemaphoreType.DMA,
        pltpu.SemaphoreType.DMA,
        pltpu.SemaphoreType.DMA,
        pltpu.SemaphoreType.DMA,
    ),
)
def _sc_gather_gmf(uix_h, iix_h, gc_t, gg_o,
                   uix_v, iix_v,
                   ug_b0, ig_b0, ug_b1, ig_b1,
                   gsem0, gsem1, wsem0, wsem1):
    wid = lax.axis_index("s") * 2 + lax.axis_index("c")
    base = wid * BPW
    pltpu.sync_copy(uix_h.at[pl.ds(base, BPW)], uix_v)
    pltpu.sync_copy(iix_h.at[pl.ds(base, BPW)], iix_v)

    def fire_out(bufs, j, sem):
        off = base + j * CHUNK
        pltpu.async_copy(bufs[0].at[pl.ds(0, CHUNK), pl.ds(0, GD)],
                         gg_o.at[pl.ds(off, CHUNK), pl.ds(0, GD)], sem)
        pltpu.async_copy(bufs[1].at[pl.ds(0, CHUNK), pl.ds(GD, GD)],
                         gg_o.at[pl.ds(off, CHUNK), pl.ds(GD, GD)], sem)

    def drain_out(bufs, sem):
        pltpu.make_async_copy(
            bufs[0].at[pl.ds(0, CHUNK), pl.ds(0, GD)],
            gg_o.at[pl.ds(base, CHUNK), pl.ds(0, GD)], sem).wait()
        pltpu.make_async_copy(
            bufs[1].at[pl.ds(0, CHUNK), pl.ds(GD, GD)],
            gg_o.at[pl.ds(base, CHUNK), pl.ds(GD, GD)], sem).wait()

    _pipeline(base,
              (uix_v, iix_v),
              (gc_t, gc_t),
              ((ug_b0, ig_b0), (ug_b1, ig_b1)),
              fire_out, drain_out,
              (gsem0, gsem1, wsem0, wsem1))


def _tc_body(gg, um, im, a1, a2,
             w0, b0, w1, b1, w2, b2, w3, b3, gw, ow, cc, out):
    bf = jnp.bfloat16
    h = jnp.concatenate([um[...], im[...], a1[...], a2[...]],
                        axis=1).astype(bf)
    h = jnp.maximum(jnp.dot(h, w0[...], preferred_element_type=jnp.float32)
                    + b0[...], 0.0).astype(bf)
    h = jnp.maximum(jnp.dot(h, w1[...], preferred_element_type=jnp.float32)
                    + b1[...], 0.0).astype(bf)
    h = jnp.maximum(jnp.dot(h, w2[...], preferred_element_type=jnp.float32)
                    + b2[...], 0.0).astype(bf)
    h = jnp.maximum(jnp.dot(h, w3[...], preferred_element_type=jnp.float32)
                    + b3[...], 0.0)
    gv = gg[...]
    gmf = gv[:, :GD] * gv[:, GD:]
    z = (jnp.sum(gmf * gw[...], axis=1)
         + jnp.sum(h * ow[...], axis=1) + cc[0, 0])
    out[...] = (100.0 / (1.0 + jnp.exp(-z))).reshape(1, 1, BS)


def _tc_mlp(gg, um, im, a1, a2, w0t, b0, w1t, b1, w2t, b2, w3t, b3,
            gw, ow, cc):
    full = lambda shape: pl.BlockSpec(shape, lambda i: (0, 0))
    blk = lambda d: pl.BlockSpec((BS, d), lambda i: (i, 0))
    return pl.pallas_call(
        _tc_body,
        grid=(NBLK,),
        in_specs=[
            blk(2 * GD), blk(MD), blk(MD), blk(MD), blk(MD),
            full((4 * MD, 256)), full((1, 256)),
            full((256, 128)), full((1, 128)),
            full((128, 64)), full((1, 64)),
            full((64, 32)), full((1, 32)),
            full((1, GD)), full((1, 32)), full((1, 1)),
        ],
        out_specs=pl.BlockSpec((1, 1, BS), lambda i: (i, 0, 0)),
        out_shape=jax.ShapeDtypeStruct((NBLK, 1, BS), jnp.float32),
    )(gg, um, im, a1, a2, w0t, b0, w1t, b1, w2t, b2, w3t, b3, gw, ow, cc)


def kernel(user_idx, item_idx, item_attr1_idx, item_attr2_idx,
           user_gmf_w, item_gmf_w, user_mlp_w, item_mlp_w, attr1_w, attr2_w,
           gmf_out_w, gmf_out_b,
           mlp_w0, mlp_b0, mlp_w1, mlp_b1, mlp_w2, mlp_b2, mlp_w3, mlp_b3,
           mlp_out_w, mlp_out_b, fusion_w, fusion_b):
    uix = user_idx.astype(jnp.int32)
    iix = item_idx.astype(jnp.int32)
    x1 = item_attr1_idx.astype(jnp.int32)
    x2 = item_attr2_idx.astype(jnp.int32)

    um, im, a1, a2 = _sc_gather_mlp(
        uix, iix, x1, x2, user_mlp_w, item_mlp_w, attr1_w, attr2_w)
    gcat = jnp.concatenate([user_gmf_w, item_gmf_w], axis=1)
    gg = _sc_gather_gmf(uix, iix, gcat)

    f0 = fusion_w[0, 0]
    f1 = fusion_w[0, 1]
    gw = gmf_out_w * f0
    ow = mlp_out_w * f1
    cc = (f0 * gmf_out_b[0] + f1 * mlp_out_b[0] + fusion_b[0]).reshape(1, 1)

    bf = jnp.bfloat16
    out = _tc_mlp(gg, um, im, a1, a2,
                  mlp_w0.T.astype(bf), mlp_b0.reshape(1, -1),
                  mlp_w1.T.astype(bf), mlp_b1.reshape(1, -1),
                  mlp_w2.T.astype(bf), mlp_b2.reshape(1, -1),
                  mlp_w3.T.astype(bf), mlp_b3.reshape(1, -1),
                  gw, ow, cc)
    return out.reshape(B)

# --- scband reference (transcript-rebuilt; emitter-appended) ---
"""Pipeline reference for scband-neu-mf-43224550867911 (READ-ONLY COPY).

The authoritative reference and input builder live on the scoring server;
editing this copy changes nothing except your own understanding.
"""

import jax, jax.numpy as jnp
import numpy as np

B = 16384
NU = 100000
NI = 100000
NA1 = 1000
NA2 = 1000
GD = 64
MD = 128
LAYERS = [256, 128, 64, 32]


def _uni(k, shape, a=0.05):
    return jax.random.uniform(k, shape, minval=-a, maxval=a, dtype=jnp.float32)


def _xavier(k, shape):
    lim = float(np.sqrt(6.0 / (shape[0] + shape[1])))
    return jax.random.uniform(k, shape, minval=-lim, maxval=lim, dtype=jnp.float32)


def setup_inputs(seed: int = 0) -> dict:
    key = jax.random.key(seed)
    ks = jax.random.split(key, 24)
    inp = {}
    inp["user_idx"] = jax.random.randint(ks[0], (B,), 0, NU)
    inp["item_idx"] = jax.random.randint(ks[1], (B,), 0, NI)
    inp["item_attr1_idx"] = jax.random.randint(ks[2], (B,), 0, NA1)
    inp["item_attr2_idx"] = jax.random.randint(ks[3], (B,), 0, NA2)
    inp["user_gmf_w"] = _uni(ks[4], (NU, GD))
    inp["item_gmf_w"] = _uni(ks[5], (NI, GD))
    inp["user_mlp_w"] = _uni(ks[6], (NU, MD))
    inp["item_mlp_w"] = _uni(ks[7], (NI, MD))
    inp["attr1_w"] = _uni(ks[8], (NA1, MD))
    inp["attr2_w"] = _uni(ks[9], (NA2, MD))
    inp["gmf_out_w"] = _xavier(ks[10], (1, GD))
    inp["gmf_out_b"] = jnp.zeros((1,), jnp.float32)
    dims = [4 * MD] + LAYERS
    for i in range(4):
        inp[f"mlp_w{i}"] = _xavier(ks[11 + i], (dims[i + 1], dims[i]))
        inp[f"mlp_b{i}"] = jnp.zeros((dims[i + 1],), jnp.float32)
    inp["mlp_out_w"] = _xavier(ks[15], (1, LAYERS[-1]))
    inp["mlp_out_b"] = jnp.zeros((1,), jnp.float32)
    inp["fusion_w"] = _xavier(ks[16], (1, 2))
    inp["fusion_b"] = jnp.zeros((1,), jnp.float32)
    return inp


def reference(user_idx, item_idx, item_attr1_idx, item_attr2_idx,
              user_gmf_w, item_gmf_w, user_mlp_w, item_mlp_w, attr1_w, attr2_w,
              gmf_out_w, gmf_out_b,
              mlp_w0, mlp_b0, mlp_w1, mlp_b1, mlp_w2, mlp_b2, mlp_w3, mlp_b3,
              mlp_out_w, mlp_out_b, fusion_w, fusion_b):
    ug = jnp.take(user_gmf_w, user_idx, axis=0)
    ig = jnp.take(item_gmf_w, item_idx, axis=0)
    gmf = ug * ig
    gmf_out = gmf @ gmf_out_w.T + gmf_out_b
    um = jnp.take(user_mlp_w, user_idx, axis=0)
    im = jnp.take(item_mlp_w, item_idx, axis=0)
    a1 = jnp.take(attr1_w, item_attr1_idx, axis=0)
    a2 = jnp.take(attr2_w, item_attr2_idx, axis=0)
    h = jnp.concatenate([um, im, a1, a2], axis=1)
    for W, b in ((mlp_w0, mlp_b0), (mlp_w1, mlp_b1), (mlp_w2, mlp_b2), (mlp_w3, mlp_b3)):
        h = jax.nn.relu(h @ W.T + b)
    mlp_out = h @ mlp_out_w.T + mlp_out_b
    fusion_in = jnp.concatenate([gmf_out, mlp_out], axis=1)
    pred = jax.nn.sigmoid(fusion_in @ fusion_w.T + fusion_b).squeeze() * 100.0
    return pred

if __name__ == "__main__":
    import jax
    _d = setup_inputs()
    print(jax.jit(kernel)(*tuple(_d.values())))

</pallas_src>

<mosaic_0001>
#map = affine_map<(d0, d1) -> (0)>
#map1 = affine_map<(d0, d1) -> (0, 0)>
module attributes {stable_mosaic.version = 14 : i64} {
  func.func @_sc_gather_mlp(%arg0: i32, %arg1: i32, %arg2: memref<16384xi32, #tpu.memory_space<hbm>>, %arg3: memref<16384xi32, #tpu.memory_space<hbm>>, %arg4: memref<16384xi32, #tpu.memory_space<hbm>>, %arg5: memref<16384xi32, #tpu.memory_space<hbm>>, %arg6: memref<100000x128xf32, #tpu.memory_space<hbm>>, %arg7: memref<100000x128xf32, #tpu.memory_space<hbm>>, %arg8: memref<1000x128xf32, #tpu.memory_space<hbm>>, %arg9: memref<1000x128xf32, #tpu.memory_space<hbm>>, %arg10: memref<16384x128xf32, #tpu.memory_space<hbm>>, %arg11: memref<16384x128xf32, #tpu.memory_space<hbm>>, %arg12: memref<16384x128xf32, #tpu.memory_space<hbm>>, %arg13: memref<16384x128xf32, #tpu.memory_space<hbm>>, %arg14: memref<512xi32, #tpu.memory_space<vmem>>, %arg15: memref<512xi32, #tpu.memory_space<vmem>>, %arg16: memref<512xi32, #tpu.memory_space<vmem>>, %arg17: memref<512xi32, #tpu.memory_space<vmem>>, %arg18: memref<64x128xf32, #tpu.memory_space<vmem>>, %arg19: memref<64x128xf32, #tpu.memory_space<vmem>>, %arg20: memref<64x128xf32, #tpu.memory_space<vmem>>, %arg21: memref<64x128xf32, #tpu.memory_space<vmem>>, %arg22: memref<64x128xf32, #tpu.memory_space<vmem>>, %arg23: memref<64x128xf32, #tpu.memory_space<vmem>>, %arg24: memref<64x128xf32, #tpu.memory_space<vmem>>, %arg25: memref<64x128xf32, #tpu.memory_space<vmem>>, %arg26: memref<!tpu.dma_semaphore, #tpu.memory_space<semaphore_mem>>, %arg27: memref<!tpu.dma_semaphore, #tpu.memory_space<semaphore_mem>>, %arg28: memref<!tpu.dma_semaphore, #tpu.memory_space<semaphore_mem>>, %arg29: memref<!tpu.dma_semaphore, #tpu.memory_space<semaphore_mem>>) attributes {dimension_semantics = [#tpu.dimension_semantics<core_parallel>, #tpu.dimension_semantics<subcore_parallel>], iteration_bounds = array<i64: 2, 16>, scalar_prefetch = 0 : i64, scratch_operands = 16 : i64, tpu.core_type = #tpu.core_type<sc_vector_subcore>, window_params = [{transform_indices = #map}, {transform_indices = #map}, {transform_indices = #map}, {transform_indices = #map}, {transform_indices = #map1}, {transform_indices = #map1}, {transform_indices = #map1}, {transform_indices = #map1}, {transform_indices = #map1}, {transform_indices = #map1}, {transform_indices = #map1}, {transform_indices = #map1}]} {
    %mul3A = arith.constant 2 : i32
    %mul3A_0 = arith.muli %arg1, %mul3A : i32
    %add3A = arith.addi %mul3A_0, %arg0 : i32
    %mul3A_1 = arith.constant 512 : i32
    %mul3A_2 = arith.muli %add3A, %mul3A_1 : i32
    "tpu.region"() ({
      %run_scoped3A = tpu.sem_alloc : memref<!tpu.dma_semaphore, #tpu.memory_space<semaphore_mem>>
      %dma_start3A_42 = tpu.memref_slice %arg2[%mul3A_2] : memref<16384xi32, #tpu.memory_space<hbm>> -> memref<512xi32, #tpu.memory_space<hbm>>
      %dma_start3A_43 = tpu.memref_slice %arg2[%mul3A_2] : memref<16384xi32, #tpu.memory_space<hbm>> -> memref<512xi32, #tpu.memory_space<hbm>>
      tpu.enqueue_dma source(%dma_start3A_43 : memref<512xi32, #tpu.memory_space<hbm>>) target(%arg14 : memref<512xi32, #tpu.memory_space<vmem>>) target_semaphore(%run_scoped3A : memref<!tpu.dma_semaphore, #tpu.memory_space<semaphore_mem>>)
      %dma_wait3A_44 = tpu.memref_slice %arg2[%mul3A_2] : memref<16384xi32, #tpu.memory_space<hbm>> -> memref<512xi32, #tpu.memory_space<hbm>>
      %dma_wait3A_45 = tpu.memref_slice %arg2[%mul3A_2] : memref<16384xi32, #tpu.memory_space<hbm>> -> memref<512xi32, #tpu.memory_space<hbm>>
      tpu.wait_dma2 semaphore(%run_scoped3A : memref<!tpu.dma_semaphore, #tpu.memory_space<semaphore_mem>>) src(%dma_wait3A_45 : memref<512xi32, #tpu.memory_space<hbm>>) dst(%arg14 : memref<512xi32, #tpu.memory_space<vmem>>)
      tpu.yield
    }) : () -> ()
    "tpu.region"() ({
      %run_scoped3A = tpu.sem_alloc : memref<!tpu.dma_semaphore, #tpu.memory_space<semaphore_mem>>
      %dma_start3A_42 = tpu.memref_slice %arg3[%mul3A_2] : memref<16384xi32, #tpu.memory_space<hbm>> -> memref<512xi32, #tpu.memory_space<hbm>>
      %dma_start3A_43 = tpu.memref_slice %arg3[%mul3A_2] : memref<16384xi32, #tpu.memory_space<hbm>> -> memref<512xi32, #tpu.memory_space<hbm>>
      tpu.enqueue_dma source(%dma_start3A_43 : memref<512xi32, #tpu.memory_space<hbm>>) target(%arg15 : memref<512xi32, #tpu.memory_space<vmem>>) target_semaphore(%run_scoped3A : memref<!tpu.dma_semaphore, #tpu.memory_space<semaphore_mem>>)
      %dma_wait3A_44 = tpu.memref_slice %arg3[%mul3A_2] : memref<16384xi32, #tpu.memory_space<hbm>> -> memref<512xi32, #tpu.memory_space<hbm>>
      %dma_wait3A_45 = tpu.memref_slice %arg3[%mul3A_2] : memref<16384xi32, #tpu.memory_space<hbm>> -> memref<512xi32, #tpu.memory_space<hbm>>
      tpu.wait_dma2 semaphore(%run_scoped3A : memref<!tpu.dma_semaphore, #tpu.memory_space<semaphore_mem>>) src(%dma_wait3A_45 : memref<512xi32, #tpu.memory_space<hbm>>) dst(%arg15 : memref<512xi32, #tpu.memory_space<vmem>>)
      tpu.yield
    }) : () -> ()
    "tpu.region"() ({
      %run_scoped3A = tpu.sem_alloc : memref<!tpu.dma_semaphore, #tpu.memory_space<semaphore_mem>>
      %dma_start3A_42 = tpu.memref_slice %arg4[%mul3A_2] : memref<16384xi32, #tpu.memory_space<hbm>> -> memref<512xi32, #tpu.memory_space<hbm>>
      %dma_start3A_43 = tpu.memref_slice %arg4[%mul3A_2] : memref<16384xi32, #tpu.memory_space<hbm>> -> memref<512xi32, #tpu.memory_space<hbm>>
      tpu.enqueue_dma source(%dma_start3A_43 : memref<512xi32, #tpu.memory_space<hbm>>) target(%arg16 : memref<512xi32, #tpu.memory_space<vmem>>) target_semaphore(%run_scoped3A : memref<!tpu.dma_semaphore, #tpu.memory_space<semaphore_mem>>)
      %dma_wait3A_44 = tpu.memref_slice %arg4[%mul3A_2] : memref<16384xi32, #tpu.memory_space<hbm>> -> memref<512xi32, #tpu.memory_space<hbm>>
      %dma_wait3A_45 = tpu.memref_slice %arg4[%mul3A_2] : memref<16384xi32, #tpu.memory_space<hbm>> -> memref<512xi32, #tpu.memory_space<hbm>>
      tpu.wait_dma2 semaphore(%run_scoped3A : memref<!tpu.dma_semaphore, #tpu.memory_space<semaphore_mem>>) src(%dma_wait3A_45 : memref<512xi32, #tpu.memory_space<hbm>>) dst(%arg16 : memref<512xi32, #tpu.memory_space<vmem>>)
      tpu.yield
    }) : () -> ()
    "tpu.region"() ({
      %run_scoped3A = tpu.sem_alloc : memref<!tpu.dma_semaphore, #tpu.memory_space<semaphore_mem>>
      %dma_start3A_42 = tpu.memref_slice %arg5[%mul3A_2] : memref<16384xi32, #tpu.memory_space<hbm>> -> memref<512xi32, #tpu.memory_space<hbm>>
      %dma_start3A_43 = tpu.memref_slice %arg5[%mul3A_2] : memref<16384xi32, #tpu.memory_space<hbm>> -> memref<512xi32, #tpu.memory_space<hbm>>
      tpu.enqueue_dma source(%dma_start3A_43 : memref<512xi32, #tpu.memory_space<hbm>>) target(%arg17 : memref<512xi32, #tpu.memory_space<vmem>>) target_semaphore(%run_scoped3A : memref<!tpu.dma_semaphore, #tpu.memory_space<semaphore_mem>>)
      %dma_wait3A_44 = tpu.memref_slice %arg5[%mul3A_2] : memref<16384xi32, #tpu.memory_space<hbm>> -> memref<512xi32, #tpu.memory_space<hbm>>
      %dma_wait3A_45 = tpu.memref_slice %arg5[%mul3A_2] : memref<16384xi32, #tpu.memory_space<hbm>> -> memref<512xi32, #tpu.memory_space<hbm>>
      tpu.wait_dma2 semaphore(%run_scoped3A : memref<!tpu.dma_semaphore, #tpu.memory_space<semaphore_mem>>) src(%dma_wait3A_45 : memref<512xi32, #tpu.memory_space<hbm>>) dst(%arg17 : memref<512xi32, #tpu.memory_space<vmem>>)
      tpu.yield
    }) : () -> ()
    %dma_start3A = arith.constant 0 : i32
    %dma_start3A_3 = tpu.memref_slice %arg14[%dma_start3A] : memref<512xi32, #tpu.memory_space<vmem>> -> memref<64xi32, #tpu.memory_space<vmem>>
    %dma_start3A_4 = arith.constant 0 : i32
    %dma_start3A_5 = arith.constant 0 : i32
    %dma_start3A_6 = tpu.memref_slice %arg6[%dma_start3A_4, %dma_start3A_5] : memref<100000x128xf32, #tpu.memory_space<hbm>> -> memref<100000x128xf32, #tpu.memory_space<hbm>>
    tpu.enqueue_indirect_dma source(%dma_start3A_6 : memref<100000x128xf32, #tpu.memory_space<hbm>>) target(%arg18 : memref<64x128xf32, #tpu.memory_space<vmem>>) offsets(%dma_start3A_3 : memref<64xi32, #tpu.memory_space<vmem>>) semaphore(%arg26 : memref<!tpu.dma_semaphore, #tpu.memory_space<semaphore_mem>>)
    %dma_start3A_7 = arith.constant 0 : i32
    %dma_start3A_8 = tpu.memref_slice %arg15[%dma_start3A_7] : memref<512xi32, #tpu.memory_space<vmem>> -> memref<64xi32, #tpu.memory_space<vmem>>
    %dma_start3A_9 = arith.constant 0 : i32
    %dma_start3A_10 = arith.constant 0 : i32
    %dma_start3A_11 = tpu.memref_slice %arg7[%dma_start3A_9, %dma_start3A_10] : memref<100000x128xf32, #tpu.memory_space<hbm>> -> memref<100000x128xf32, #tpu.memory_space<hbm>>
    tpu.enqueue_indirect_dma source(%dma_start3A_11 : memref<100000x128xf32, #tpu.memory_space<hbm>>) target(%arg19 : memref<64x128xf32, #tpu.memory_space<vmem>>) offsets(%dma_start3A_8 : memref<64xi32, #tpu.memory_space<vmem>>) semaphore(%arg26 : memref<!tpu.dma_semaphore, #tpu.memory_space<semaphore_mem>>)
    %dma_start3A_12 = arith.constant 0 : i32
    %dma_start3A_13 = tpu.memref_slice %arg16[%dma_start3A_12] : memref<512xi32, #tpu.memory_space<vmem>> -> memref<64xi32, #tpu.memory_space<vmem>>
    %dma_start3A_14 = arith.constant 0 : i32
    %dma_start3A_15 = arith.constant 0 : i32
    %dma_start3A_16 = tpu.memref_slice %arg8[%dma_start3A_14, %dma_start3A_15] : memref<1000x128xf32, #tpu.memory_space<hbm>> -> memref<1000x128xf32, #tpu.memory_space<hbm>>
    tpu.enqueue_indirect_dma source(%dma_start3A_16 : memref<1000x128xf32, #tpu.memory_space<hbm>>) target(%arg20 : memref<64x128xf32, #tpu.memory_space<vmem>>) offsets(%dma_start3A_13 : memref<64xi32, #tpu.memory_space<vmem>>) semaphore(%arg26 : memref<!tpu.dma_semaphore, #tpu.memory_space<semaphore_mem>>)
    %dma_start3A_17 = arith.constant 0 : i32
    %dma_start3A_18 = tpu.memref_slice %arg17[%dma_start3A_17] : memref<512xi32, #tpu.memory_space<vmem>> -> memref<64xi32, #tpu.memory_space<vmem>>
    %dma_start3A_19 = arith.constant 0 : i32
    %dma_start3A_20 = arith.constant 0 : i32
    %dma_start3A_21 = tpu.memref_slice %arg9[%dma_start3A_19, %dma_start3A_20] : memref<1000x128xf32, #tpu.memory_space<hbm>> -> memref<1000x128xf32, #tpu.memory_space<hbm>>
    tpu.enqueue_indirect_dma source(%dma_start3A_21 : memref<1000x128xf32, #tpu.memory_space<hbm>>) target(%arg21 : memref<64x128xf32, #tpu.memory_space<vmem>>) offsets(%dma_start3A_18 : memref<64xi32, #tpu.memory_space<vmem>>) semaphore(%arg26 : memref<!tpu.dma_semaphore, #tpu.memory_space<semaphore_mem>>)
    %scan3A = arith.constant 0 : i32
    %scan3A_22 = arith.constant 0 : i32
    %scan3A_23 = arith.constant 4 : i32
    %scan3A_24 = arith.addi %scan3A_22, %scan3A_23 : i32
    %scan3A_25 = arith.constant 1 : i32
    scf.for %scan3A_42 = %scan3A_22 to %scan3A_24 step %scan3A_25  : i32 {
      %mul3A_43 = arith.constant 2 : i32
      %mul3A_44 = arith.muli %mul3A_43, %scan3A_42 : i32
      %dma_wait3A_45 = arith.constant 0 : i32
      %dma_wait3A_46 = arith.constant 0 : i32
      %dma_wait3A_47 = tpu.memref_slice %arg6[%dma_wait3A_45, %dma_wait3A_46] : memref<100000x128xf32, #tpu.memory_space<hbm>> -> memref<64x128xf32, #tpu.memory_space<hbm>>
      %dma_wait3A_48 = arith.constant 0 : i32
      %dma_wait3A_49 = arith.constant 0 : i32
      %dma_wait3A_50 = tpu.memref_slice %arg6[%dma_wait3A_48, %dma_wait3A_49] : memref<100000x128xf32, #tpu.memory_space<hbm>> -> memref<64x128xf32, #tpu.memory_space<hbm>>
      tpu.wait_dma2 semaphore(%arg26 : memref<!tpu.dma_semaphore, #tpu.memory_space<semaphore_mem>>) src(%dma_wait3A_50 : memref<64x128xf32, #tpu.memory_space<hbm>>) dst(%arg18 : memref<64x128xf32, #tpu.memory_space<vmem>>)
      %dma_wait3A_51 = arith.constant 0 : i32
      %dma_wait3A_52 = arith.constant 0 : i32
      %dma_wait3A_53 = tpu.memref_slice %arg7[%dma_wait3A_51, %dma_wait3A_52] : memref<100000x128xf32, #tpu.memory_space<hbm>> -> memref<64x128xf32, #tpu.memory_space<hbm>>
      %dma_wait3A_54 = arith.constant 0 : i32
      %dma_wait3A_55 = arith.constant 0 : i32
      %dma_wait3A_56 = tpu.memref_slice %arg7[%dma_wait3A_54, %dma_wait3A_55] : memref<100000x128xf32, #tpu.memory_space<hbm>> -> memref<64x128xf32, #tpu.memory_space<hbm>>
      tpu.wait_dma2 semaphore(%arg26 : memref<!tpu.dma_semaphore, #tpu.memory_space<semaphore_mem>>) src(%dma_wait3A_56 : memref<64x128xf32, #tpu.memory_space<hbm>>) dst(%arg19 : memref<64x128xf32, #tpu.memory_space<vmem>>)
      %dma_wait3A_57 = arith.constant 0 : i32
      %dma_wait3A_58 = arith.constant 0 : i32
      %dma_wait3A_59 = tpu.memref_slice %arg8[%dma_wait3A_57, %dma_wait3A_58] : memref<1000x128xf32, #tpu.memory_space<hbm>> -> memref<64x128xf32, #tpu.memory_space<hbm>>
      %dma_wait3A_60 = arith.constant 0 : i32
      %dma_wait3A_61 = arith.constant 0 : i32
      %dma_wait3A_62 = tpu.memref_slice %arg8[%dma_wait3A_60, %dma_wait3A_61] : memref<1000x128xf32, #tpu.memory_space<hbm>> -> memref<64x128xf32, #tpu.memory_space<hbm>>
      tpu.wait_dma2 semaphore(%arg26 : memref<!tpu.dma_semaphore, #tpu.memory_space<semaphore_mem>>) src(%dma_wait3A_62 : memref<64x128xf32, #tpu.memory_space<hbm>>) dst(%arg20 : memref<64x128xf32, #tpu.memory_space<vmem>>)
      %dma_wait3A_63 = arith.constant 0 : i32
      %dma_wait3A_64 = arith.constant 0 : i32
      %dma_wait3A_65 = tpu.memref_slice %arg9[%dma_wait3A_63, %dma_wait3A_64] : memref<1000x128xf32, #tpu.memory_space<hbm>> -> memref<64x128xf32, #tpu.memory_space<hbm>>
      %dma_wait3A_66 = arith.constant 0 : i32
      %dma_wait3A_67 = arith.constant 0 : i32
      %dma_wait3A_68 = tpu.memref_slice %arg9[%dma_wait3A_66, %dma_wait3A_67] : memref<1000x128xf32, #tpu.memory_space<hbm>> -> memref<64x128xf32, #tpu.memory_space<hbm>>
      tpu.wait_dma2 semaphore(%arg26 : memref<!tpu.dma_semaphore, #tpu.memory_space<semaphore_mem>>) src(%dma_wait3A_68 : memref<64x128xf32, #tpu.memory_space<hbm>>) dst(%arg21 : memref<64x128xf32, #tpu.memory_space<vmem>>)
      %gt3A = arith.constant 0 : i32
      %gt3A_69 = arith.cmpi sgt, %scan3A_42, %gt3A : i32
      %convert_element_type3A = arith.extui %gt3A_69 : i1 to i32
      %cond3A = arith.constant 0 : i32
      %cond3A_70 = arith.cmpi ne, %convert_element_type3A, %cond3A : i32
      scf.if %cond3A_70 {
        %dma_wait3A_183 = arith.constant 0 : i32
        %dma_wait3A_184 = tpu.memref_slice %arg10[%mul3A_2, %dma_wait3A_183] : memref<16384x128xf32, #tpu.memory_space<hbm>> -> memref<64x128xf32, #tpu.memory_space<hbm>>
        %dma_wait3A_185 = arith.constant 0 : i32
        %dma_wait3A_186 = tpu.memref_slice %arg10[%mul3A_2, %dma_wait3A_185] : memref<16384x128xf32, #tpu.memory_space<hbm>> -> memref<64x128xf32, #tpu.memory_space<hbm>>
        tpu.wait_dma2 semaphore(%arg29 : memref<!tpu.dma_semaphore, #tpu.memory_space<semaphore_mem>>) src(%arg22 : memref<64x128xf32, #tpu.memory_space<vmem>>) dst(%dma_wait3A_186 : memref<64x128xf32, #tpu.memory_space<hbm>>)
        %dma_wait3A_187 = arith.constant 0 : i32
        %dma_wait3A_188 = tpu.memref_slice %arg11[%mul3A_2, %dma_wait3A_187] : memref<16384x128xf32, #tpu.memory_space<hbm>> -> memref<64x128xf32, #tpu.memory_space<hbm>>
        %dma_wait3A_189 = arith.constant 0 : i32
        %dma_wait3A_190 = tpu.memref_slice %arg11[%mul3A_2, %dma_wait3A_189] : memref<16384x128xf32, #tpu.memory_space<hbm>> -> memref<64x128xf32, #tpu.memory_space<hbm>>
        tpu.wait_dma2 semaphore(%arg29 : memref<!tpu.dma_semaphore, #tpu.memory_space<semaphore_mem>>) src(%arg23 : memref<64x128xf32, #tpu.memory_space<vmem>>) dst(%dma_wait3A_190 : memref<64x128xf32, #tpu.memory_space<hbm>>)
        %dma_wait3A_191 = arith.constant 0 : i32
        %dma_wait3A_192 = tpu.memref_slice %arg12[%mul3A_2, %dma_wait3A_191] : memref<16384x128xf32, #tpu.memory_space<hbm>> -> memref<64x128xf32, #tpu.memory_space<hbm>>
        %dma_wait3A_193 = arith.constant 0 : i32
        %dma_wait3A_194 = tpu.memref_slice %arg12[%mul3A_2, %dma_wait3A_193] : memref<16384x128xf32, #tpu.memory_space<hbm>> -> memref<64x128xf32, #tpu.memory_space<hbm>>
        tpu.wait_dma2 semaphore(%arg29 : memref<!tpu.dma_semaphore, #tpu.memory_space<semaphore_mem>>) src(%arg24 : memref<64x128xf32, #tpu.memory_space<vmem>>) dst(%dma_wait3A_194 : memref<64x128xf32, #tpu.memory_space<hbm>>)
        %dma_wait3A_195 = arith.constant 0 : i32
        %dma_wait3A_196 = tpu.memref_slice %arg13[%mul3A_2, %dma_wait3A_195] : memref<16384x128xf32, #tpu.memory_space<hbm>> -> memref<64x128xf32, #tpu.memory_space<hbm>>
        %dma_wait3A_197 = arith.constant 0 : i32
        %dma_wait3A_198 = tpu.memref_slice %arg13[%mul3A_2, %dma_wait3A_197] : memref<16384x128xf32, #tpu.memory_space<hbm>> -> memref<64x128xf32, #tpu.memory_space<hbm>>
        tpu.wait_dma2 semaphore(%arg29 : memref<!tpu.dma_semaphore, #tpu.memory_space<semaphore_mem>>) src(%arg25 : memref<64x128xf32, #tpu.memory_space<vmem>>) dst(%dma_wait3A_198 : memref<64x128xf32, #tpu.memory_space<hbm>>)
      } else {
      }
      %add3A_71 = arith.constant 1 : i32
      %add3A_72 = arith.addi %mul3A_44, %add3A_71 : i32
      %mul3A_73 = arith.constant 64 : i32
      %mul3A_74 = arith.muli %add3A_72, %mul3A_73 : i32
      %dma_start3A_75 = tpu.memref_slice %arg14[%mul3A_74] : memref<512xi32, #tpu.memory_space<vmem>> -> memref<64xi32, #tpu.memory_space<vmem>>
      %dma_start3A_76 = arith.constant 0 : i32
      %dma_start3A_77 = arith.constant 0 : i32
      %dma_start3A_78 = tpu.memref_slice %arg6[%dma_start3A_76, %dma_start3A_77] : memref<100000x128xf32, #tpu.memory_space<hbm>> -> memref<100000x128xf32, #tpu.memory_space<hbm>>
      tpu.enqueue_indirect_dma source(%dma_start3A_78 : memref<100000x128xf32, #tpu.memory_space<hbm>>) target(%arg22 : memref<64x128xf32, #tpu.memory_space<vmem>>) offsets(%dma_start3A_75 : memref<64xi32, #tpu.memory_space<vmem>>) semaphore(%arg27 : memref<!tpu.dma_semaphore, #tpu.memory_space<semaphore_mem>>)
      %mul3A_79 = arith.constant 64 : i32
      %mul3A_80 = arith.muli %add3A_72, %mul3A_79 : i32
      %dma_start3A_81 = tpu.memref_slice %arg15[%mul3A_80] : memref<512xi32, #tpu.memory_space<vmem>> -> memref<64xi32, #tpu.memory_space<vmem>>
      %dma_start3A_82 = arith.constant 0 : i32
      %dma_start3A_83 = arith.constant 0 : i32
      %dma_start3A_84 = tpu.memref_slice %arg7[%dma_start3A_82, %dma_start3A_83] : memref<100000x128xf32, #tpu.memory_space<hbm>> -> memref<100000x128xf32, #tpu.memory_space<hbm>>
      tpu.enqueue_indirect_dma source(%dma_start3A_84 : memref<100000x128xf32, #tpu.memory_space<hbm>>) target(%arg23 : memref<64x128xf32, #tpu.memory_space<vmem>>) offsets(%dma_start3A_81 : memref<64xi32, #tpu.memory_space<vmem>>) semaphore(%arg27 : memref<!tpu.dma_semaphore, #tpu.memory_space<semaphore_mem>>)
      %mul3A_85 = arith.constant 64 : i32
      %mul3A_86 = arith.muli %add3A_72, %mul3A_85 : i32
      %dma_start3A_87 = tpu.memref_slice %arg16[%mul3A_86] : memref<512xi32, #tpu.memory_space<vmem>> -> memref<64xi32, #tpu.memory_space<vmem>>
      %dma_start3A_88 = arith.constant 0 : i32
      %dma_start3A_89 = arith.constant 0 : i32
      %dma_start3A_90 = tpu.memref_slice %arg8[%dma_start3A_88, %dma_start3A_89] : memref<1000x128xf32, #tpu.memory_space<hbm>> -> memref<1000x128xf32, #tpu.memory_space<hbm>>
      tpu.enqueue_indirect_dma source(%dma_start3A_90 : memref<1000x128xf32, #tpu.memory_space<hbm>>) target(%arg24 : memref<64x128xf32, #tpu.memory_space<vmem>>) offsets(%dma_start3A_87 : memref<64xi32, #tpu.memory_space<vmem>>) semaphore(%arg27 : memref<!tpu.dma_semaphore, #tpu.memory_space<semaphore_mem>>)
      %mul3A_91 = arith.constant 64 : i32
      %mul3A_92 = arith.muli %add3A_72, %mul3A_91 : i32
      %dma_start3A_93 = tpu.memref_slice %arg17[%mul3A_92] : memref<512xi32, #tpu.memory_space<vmem>> -> memref<64xi32, #tpu.memory_space<vmem>>
      %dma_start3A_94 = arith.constant 0 : i32
      %dma_start3A_95 = arith.constant 0 : i32
      %dma_start3A_96 = tpu.memref_slice %arg9[%dma_start3A_94, %dma_start3A_95] : memref<1000x128xf32, #tpu.memory_space<hbm>> -> memref<1000x128xf32, #tpu.memory_space<hbm>>
      tpu.enqueue_indirect_dma source(%dma_start3A_96 : memref<1000x128xf32, #tpu.memory_space<hbm>>) target(%arg25 : memref<64x128xf32, #tpu.memory_space<vmem>>) offsets(%dma_start3A_93 : memref<64xi32, #tpu.memory_space<vmem>>) semaphore(%arg27 : memref<!tpu.dma_semaphore, #tpu.memory_space<semaphore_mem>>)
      %mul3A_97 = arith.constant 64 : i32
      %mul3A_98 = arith.muli %mul3A_44, %mul3A_97 : i32
      %add3A_99 = arith.addi %mul3A_2, %mul3A_98 : i32
      %dma_start3A_100 = arith.constant 0 : i32
      %dma_start3A_101 = tpu.memref_slice %arg10[%add3A_99, %dma_start3A_100] : memref<16384x128xf32, #tpu.memory_space<hbm>> -> memref<64x128xf32, #tpu.memory_space<hbm>>
      %dma_start3A_102 = arith.constant 0 : i32
      %dma_start3A_103 = tpu.memref_slice %arg10[%add3A_99, %dma_start3A_102] : memref<16384x128xf32, #tpu.memory_space<hbm>> -> memref<64x128xf32, #tpu.memory_space<hbm>>
      tpu.enqueue_dma source(%arg18 : memref<64x128xf32, #tpu.memory_space<vmem>>) target(%dma_start3A_103 : memref<64x128xf32, #tpu.memory_space<hbm>>) target_semaphore(%arg28 : memref<!tpu.dma_semaphore, #tpu.memory_space<semaphore_mem>>)
      %dma_start3A_104 = arith.constant 0 : i32
      %dma_start3A_105 = tpu.memref_slice %arg11[%add3A_99, %dma_start3A_104] : memref<16384x128xf32, #tpu.memory_space<hbm>> -> memref<64x128xf32, #tpu.memory_space<hbm>>
      %dma_start3A_106 = arith.constant 0 : i32
      %dma_start3A_107 = tpu.memref_slice %arg11[%add3A_99, %dma_start3A_106] : memref<16384x128xf32, #tpu.memory_space<hbm>> -> memref<64x128xf32, #tpu.memory_space<hbm>>
      tpu.enqueue_dma source(%arg19 : memref<64x128xf32, #tpu.memory_space<vmem>>) target(%dma_start3A_107 : memref<64x128xf32, #tpu.memory_space<hbm>>) target_semaphore(%arg28 : memref<!tpu.dma_semaphore, #tpu.memory_space<semaphore_mem>>)
      %dma_start3A_108 = arith.constant 0 : i32
      %dma_start3A_109 = tpu.memref_slice %arg12[%add3A_99, %dma_start3A_108] : memref<16384x128xf32, #tpu.memory_space<hbm>> -> memref<64x128xf32, #tpu.memory_space<hbm>>
      %dma_start3A_110 = arith.constant 0 : i32
      %dma_start3A_111 = tpu.memref_slice %arg12[%add3A_99, %dma_start3A_110] : memref<16384x128xf32, #tpu.memory_space<hbm>> -> memref<64x128xf32, #tpu.memory_space<hbm>>
      tpu.enqueue_dma source(%arg20 : memref<64x128xf32, #tpu.memory_space<vmem>>) target(%dma_start3A_111 : memref<64x128xf32, #tpu.memory_space<hbm>>) target_semaphore(%arg28 : memref<!tpu.dma_semaphore, #tpu.memory_space<semaphore_mem>>)
      %dma_start3A_112 = arith.constant 0 : i32
      %dma_start3A_113 = tpu.memref_slice %arg13[%add3A_99, %dma_start3A_112] : memref<16384x128xf32, #tpu.memory_space<hbm>> -> memref<64x128xf32, #tpu.memory_space<hbm>>
      %dma_start3A_114 = arith.constant 0 : i32
      %dma_start3A_115 = tpu.memref_slice %arg13[%add3A_99, %dma_start3A_114] : memref<16384x128xf32, #tpu.memory_space<hbm>> -> memref<64x128xf32, #tpu.memory_space<hbm>>
      tpu.enqueue_dma source(%arg21 : memref<64x128xf32, #tpu.memory_space<vmem>>) target(%dma_start3A_115 : memref<64x128xf32, #tpu.memory_space<hbm>>) target_semaphore(%arg28 : memref<!tpu.dma_semaphore, #tpu.memory_space<semaphore_mem>>)
      %dma_wait3A_116 = arith.constant 0 : i32
      %dma_wait3A_117 = arith.constant 0 : i32
      %dma_wait3A_118 = tpu.memref_slice %arg6[%dma_wait3A_116, %dma_wait3A_117] : memref<100000x128xf32, #tpu.memory_space<hbm>> -> memref<64x128xf32, #tpu.memory_space<hbm>>
      %dma_wait3A_119 = arith.constant 0 : i32
      %dma_wait3A_120 = arith.constant 0 : i32
      %dma_wait3A_121 = tpu.memref_slice %arg6[%dma_wait3A_119, %dma_wait3A_120] : memref<100000x128xf32, #tpu.memory_space<hbm>> -> memref<64x128xf32, #tpu.memory_space<hbm>>
      tpu.wait_dma2 semaphore(%arg27 : memref<!tpu.dma_semaphore, #tpu.memory_space<semaphore_mem>>) src(%dma_wait3A_121 : memref<64x128xf32, #tpu.memory_space<hbm>>) dst(%arg22 : memref<64x128xf32, #tpu.memory_space<vmem>>)
      %dma_wait3A_122 = arith.constant 0 : i32
      %dma_wait3A_123 = arith.constant 0 : i32
      %dma_wait3A_124 = tpu.memref_slice %arg7[%dma_wait3A_122, %dma_wait3A_123] : memref<100000x128xf32, #tpu.memory_space<hbm>> -> memref<64x128xf32, #tpu.memory_space<hbm>>
      %dma_wait3A_125 = arith.constant 0 : i32
      %dma_wait3A_126 = arith.constant 0 : i32
      %dma_wait3A_127 = tpu.memref_slice %arg7[%dma_wait3A_125, %dma_wait3A_126] : memref<100000x128xf32, #tpu.memory_space<hbm>> -> memref<64x128xf32, #tpu.memory_space<hbm>>
      tpu.wait_dma2 semaphore(%arg27 : memref<!tpu.dma_semaphore, #tpu.memory_space<semaphore_mem>>) src(%dma_wait3A_127 : memref<64x128xf32, #tpu.memory_space<hbm>>) dst(%arg23 : memref<64x128xf32, #tpu.memory_space<vmem>>)
      %dma_wait3A_128 = arith.constant 0 : i32
      %dma_wait3A_129 = arith.constant 0 : i32
      %dma_wait3A_130 = tpu.memref_slice %arg8[%dma_wait3A_128, %dma_wait3A_129] : memref<1000x128xf32, #tpu.memory_space<hbm>> -> memref<64x128xf32, #tpu.memory_space<hbm>>
      %dma_wait3A_131 = arith.constant 0 : i32
      %dma_wait3A_132 = arith.constant 0 : i32
      %dma_wait3A_133 = tpu.memref_slice %arg8[%dma_wait3A_131, %dma_wait3A_132] : memref<1000x128xf32, #tpu.memory_space<hbm>> -> memref<64x128xf32, #tpu.memory_space<hbm>>
      tpu.wait_dma2 semaphore(%arg27 : memref<!tpu.dma_semaphore, #tpu.memory_space<semaphore_mem>>) src(%dma_wait3A_133 : memref<64x128xf32, #tpu.memory_space<hbm>>) dst(%arg24 : memref<64x128xf32, #tpu.memory_space<vmem>>)
      %dma_wait3A_134 = arith.constant 0 : i32
      %dma_wait3A_135 = arith.constant 0 : i32
      %dma_wait3A_136 = tpu.memref_slice %arg9[%dma_wait3A_134, %dma_wait3A_135] : memref<1000x128xf32, #tpu.memory_space<hbm>> -> memref<64x128xf32, #tpu.memory_space<hbm>>
      %dma_wait3A_137 = arith.constant 0 : i32
      %dma_wait3A_138 = arith.constant 0 : i32
      %dma_wait3A_139 = tpu.memref_slice %arg9[%dma_wait3A_137, %dma_wait3A_138] : memref<1000x128xf32, #tpu.memory_space<hbm>> -> memref<64x128xf32, #tpu.memory_space<hbm>>
      tpu.wait_dma2 semaphore(%arg27 : memref<!tpu.dma_semaphore, #tpu.memory_space<semaphore_mem>>) src(%dma_wait3A_139 : memref<64x128xf32, #tpu.memory_space<hbm>>) dst(%arg25 : memref<64x128xf32, #tpu.memory_space<vmem>>)
      %dma_wait3A_140 = arith.constant 0 : i32
      %dma_wait3A_141 = tpu.memref_slice %arg10[%mul3A_2, %dma_wait3A_140] : memref<16384x128xf32, #tpu.memory_space<hbm>> -> memref<64x128xf32, #tpu.memory_space<hbm>>
      %dma_wait3A_142 = arith.constant 0 : i32
      %dma_wait3A_143 = tpu.memref_slice %arg10[%mul3A_2, %dma_wait3A_142] : memref<16384x128xf32, #tpu.memory_space<hbm>> -> memref<64x128xf32, #tpu.memory_space<hbm>>
      tpu.wait_dma2 semaphore(%arg28 : memref<!tpu.dma_semaphore, #tpu.memory_space<semaphore_mem>>) src(%arg18 : memref<64x128xf32, #tpu.memory_space<vmem>>) dst(%dma_wait3A_143 : memref<64x128xf32, #tpu.memory_space<hbm>>)
      %dma_wait3A_144 = arith.constant 0 : i32
      %dma_wait3A_145 = tpu.memref_slice %arg11[%mul3A_2, %dma_wait3A_144] : memref<16384x128xf32, #tpu.memory_space<hbm>> -> memref<64x128xf32, #tpu.memory_space<hbm>>
      %dma_wait3A_146 = arith.constant 0 : i32
      %dma_wait3A_147 = tpu.memref_slice %arg11[%mul3A_2, %dma_wait3A_146] : memref<16384x128xf32, #tpu.memory_space<hbm>> -> memref<64x128xf32, #tpu.memory_space<hbm>>
      tpu.wait_dma2 semaphore(%arg28 : memref<!tpu.dma_semaphore, #tpu.memory_space<semaphore_mem>>) src(%arg19 : memref<64x128xf32, #tpu.memory_space<vmem>>) dst(%dma_wait3A_147 : memref<64x128xf32, #tpu.memory_space<hbm>>)
      %dma_wait3A_148 = arith.constant 0 : i32
      %dma_wait3A_149 = tpu.memref_slice %arg12[%mul3A_2, %dma_wait3A_148] : memref<16384x128xf32, #tpu.memory_space<hbm>> -> memref<64x128xf32, #tpu.memory_space<hbm>>
      %dma_wait3A_150 = arith.constant 0 : i32
      %dma_wait3A_151 = tpu.memref_slice %arg12[%mul3A_2, %dma_wait3A_150] : memref<16384x128xf32, #tpu.memory_space<hbm>> -> memref<64x128xf32, #tpu.memory_space<hbm>>
      tpu.wait_dma2 semaphore(%arg28 : memref<!tpu.dma_semaphore, #tpu.memory_space<semaphore_mem>>) src(%arg20 : memref<64x128xf32, #tpu.memory_space<vmem>>) dst(%dma_wait3A_151 : memref<64x128xf32, #tpu.memory_space<hbm>>)
      %dma_wait3A_152 = arith.constant 0 : i32
      %dma_wait3A_153 = tpu.memref_slice %arg13[%mul3A_2, %dma_wait3A_152] : memref<16384x128xf32, #tpu.memory_space<hbm>> -> memref<64x128xf32, #tpu.memory_space<hbm>>
      %dma_wait3A_154 = arith.constant 0 : i32
      %dma_wait3A_155 = tpu.memref_slice %arg13[%mul3A_2, %dma_wait3A_154] : memref<16384x128xf32, #tpu.memory_space<hbm>> -> memref<64x128xf32, #tpu.memory_space<hbm>>
      tpu.wait_dma2 semaphore(%arg28 : memref<!tpu.dma_semaphore, #tpu.memory_space<semaphore_mem>>) src(%arg21 : memref<64x128xf32, #tpu.memory_space<vmem>>) dst(%dma_wait3A_155 : memref<64x128xf32, #tpu.memory_space<hbm>>)
      %add3A_156 = arith.constant 1 : i32
      %add3A_157 = arith.addi %scan3A_42, %add3A_156 : i32
      %lt3A = arith.constant 4 : i32
      %lt3A_158 = arith.cmpi slt, %add3A_157, %lt3A : i32
      %convert_element_type3A_159 = arith.extui %lt3A_158 : i1 to i32
      %cond3A_160 = arith.constant 0 : i32
      %cond3A_161 = arith.cmpi ne, %convert_element_type3A_159, %cond3A_160 : i32
      scf.if %cond3A_161 {
        %add3A_183 = arith.constant 2 : i32
        %add3A_184 = arith.addi %mul3A_44, %add3A_183 : i32
        %mul3A_185 = arith.constant 64 : i32
        %mul3A_186 = arith.muli %add3A_184, %mul3A_185 : i32
        %dma_start3A_187 = tpu.memref_slice %arg14[%mul3A_186] : memref<512xi32, #tpu.memory_space<vmem>> -> memref<64xi32, #tpu.memory_space<vmem>>
        %dma_start3A_188 = arith.constant 0 : i32
        %dma_start3A_189 = arith.constant 0 : i32
        %dma_start3A_190 = tpu.memref_slice %arg6[%dma_start3A_188, %dma_start3A_189] : memref<100000x128xf32, #tpu.memory_space<hbm>> -> memref<100000x128xf32, #tpu.memory_space<hbm>>
        tpu.enqueue_indirect_dma source(%dma_start3A_190 : memref<100000x128xf32, #tpu.memory_space<hbm>>) target(%arg18 : memref<64x128xf32, #tpu.memory_space<vmem>>) offsets(%dma_start3A_187 : memref<64xi32, #tpu.memory_space<vmem>>) semaphore(%arg26 : memref<!tpu.dma_semaphore, #tpu.memory_space<semaphore_mem>>)
        %mul3A_191 = arith.constant 64 : i32
        %mul3A_192 = arith.muli %add3A_184, %mul3A_191 : i32
        %dma_start3A_193 = tpu.memref_slice %arg15[%mul3A_192] : memref<512xi32, #tpu.memory_space<vmem>> -> memref<64xi32, #tpu.memory_space<vmem>>
        %dma_start3A_194 = arith.constant 0 : i32
        %dma_start3A_195 = arith.constant 0 : i32
        %dma_start3A_196 = tpu.memref_slice %arg7[%dma_start3A_194, %dma_start3A_195] : memref<100000x128xf32, #tpu.memory_space<hbm>> -> memref<100000x128xf32, #tpu.memory_space<hbm>>
        tpu.enqueue_indirect_dma source(%dma_start3A_196 : memref<100000x128xf32, #tpu.memory_space<hbm>>) target(%arg19 : memref<64x128xf32, #tpu.memory_space<vmem>>) offsets(%dma_start3A_193 : memref<64xi32, #tpu.memory_space<vmem>>) semaphore(%arg26 : memref<!tpu.dma_semaphore, #tpu.memory_space<semaphore_mem>>)
        %mul3A_197 = arith.constant 64 : i32
        %mul3A_198 = arith.muli %add3A_184, %mul3A_197 : i32
        %dma_start3A_199 = tpu.memref_slice %arg16[%mul3A_198] : memref<512xi32, #tpu.memory_space<vmem>> -> memref<64xi32, #tpu.memory_space<vmem>>
        %dma_start3A_200 = arith.constant 0 : i32
        %dma_start3A_201 = arith.constant 0 : i32
        %dma_start3A_202 = tpu.memref_slice %arg8[%dma_start3A_200, %dma_start3A_201] : memref<1000x128xf32, #tpu.memory_space<hbm>> -> memref<1000x128xf32, #tpu.memory_space<hbm>>
        tpu.enqueue_indirect_dma source(%dma_start3A_202 : memref<1000x128xf32, #tpu.memory_space<hbm>>) target(%arg20 : memref<64x128xf32, #tpu.memory_space<vmem>>) offsets(%dma_start3A_199 : memref<64xi32, #tpu.memory_space<vmem>>) semaphore(%arg26 : memref<!tpu.dma_semaphore, #tpu.memory_space<semaphore_mem>>)
        %mul3A_203 = arith.constant 64 : i32
        %mul3A_204 = arith.muli %add3A_184, %mul3A_203 : i32
        %dma_start3A_205 = tpu.memref_slice %arg17[%mul3A_204] : memref<512xi32, #tpu.memory_space<vmem>> -> memref<64xi32, #tpu.memory_space<vmem>>
        %dma_start3A_206 = arith.constant 0 : i32
        %dma_start3A_207 = arith.constant 0 : i32
        %dma_start3A_208 = tpu.memref_slice %arg9[%dma_start3A_206, %dma_start3A_207] : memref<1000x128xf32, #tpu.memory_space<hbm>> -> memref<1000x128xf32, #tpu.memory_space<hbm>>
        tpu.enqueue_indirect_dma source(%dma_start3A_208 : memref<1000x128xf32, #tpu.memory_space<hbm>>) target(%arg21 : memref<64x128xf32, #tpu.memory_space<vmem>>) offsets(%dma_start3A_205 : memref<64xi32, #tpu.memory_space<vmem>>) semaphore(%arg26 : memref<!tpu.dma_semaphore, #tpu.memory_space<semaphore_mem>>)
      } else {
      }
      %add3A_162 = arith.constant 1 : i32
      %add3A_163 = arith.addi %mul3A_44, %add3A_162 : i32
      %mul3A_164 = arith.constant 64 : i32
      %mul3A_165 = arith.muli %add3A_163, %mul3A_164 : i32
      %add3A_166 = arith.addi %mul3A_2, %mul3A_165 : i32
      %dma_start3A_167 = arith.constant 0 : i32
      %dma_start3A_168 = tpu.memref_slice %arg10[%add3A_166, %dma_start3A_167] : memref<16384x128xf32, #tpu.memory_space<hbm>> -> memref<64x128xf32, #tpu.memory_space<hbm>>
      %dma_start3A_169 = arith.constant 0 : i32
      %dma_start3A_170 = tpu.memref_slice %arg10[%add3A_166, %dma_start3A_169] : memref<16384x128xf32, #tpu.memory_space<hbm>> -> memref<64x128xf32, #tpu.memory_space<hbm>>
      tpu.enqueue_dma source(%arg22 : memref<64x128xf32, #tpu.memory_space<vmem>>) target(%dma_start3A_170 : memref<64x128xf32, #tpu.memory_space<hbm>>) target_semaphore(%arg29 : memref<!tpu.dma_semaphore, #tpu.memory_space<semaphore_mem>>)
      %dma_start3A_171 = arith.constant 0 : i32
      %dma_start3A_172 = tpu.memref_slice %arg11[%add3A_166, %dma_start3A_171] : memref<16384x128xf32, #tpu.memory_space<hbm>> -> memref<64x128xf32, #tpu.memory_space<hbm>>
      %dma_start3A_173 = arith.constant 0 : i32
      %dma_start3A_174 = tpu.memref_slice %arg11[%add3A_166, %dma_start3A_173] : memref<16384x128xf32, #tpu.memory_space<hbm>> -> memref<64x128xf32, #tpu.memory_space<hbm>>
      tpu.enqueue_dma source(%arg23 : memref<64x128xf32, #tpu.memory_space<vmem>>) target(%dma_start3A_174 : memref<64x128xf32, #tpu.memory_space<hbm>>) target_semaphore(%arg29 : memref<!tpu.dma_semaphore, #tpu.memory_space<semaphore_mem>>)
      %dma_start3A_175 = arith.constant 0 : i32
      %dma_start3A_176 = tpu.memref_slice %arg12[%add3A_166, %dma_start3A_175] : memref<16384x128xf32, #tpu.memory_space<hbm>> -> memref<64x128xf32, #tpu.memory_space<hbm>>
      %dma_start3A_177 = arith.constant 0 : i32
      %dma_start3A_178 = tpu.memref_slice %arg12[%add3A_166, %dma_start3A_177] : memref<16384x128xf32, #tpu.memory_space<hbm>> -> memref<64x128xf32, #tpu.memory_space<hbm>>
      tpu.enqueue_dma source(%arg24 : memref<64x128xf32, #tpu.memory_space<vmem>>) target(%dma_start3A_178 : memref<64x128xf32, #tpu.memory_space<hbm>>) target_semaphore(%arg29 : memref<!tpu.dma_semaphore, #tpu.memory_space<semaphore_mem>>)
      %dma_start3A_179 = arith.constant 0 : i32
      %dma_start3A_180 = tpu.memref_slice %arg13[%add3A_166, %dma_start3A_179] : memref<16384x128xf32, #tpu.memory_space<hbm>> -> memref<64x128xf32, #tpu.memory_space<hbm>>
      %dma_start3A_181 = arith.constant 0 : i32
      %dma_start3A_182 = tpu.memref_slice %arg13[%add3A_166, %dma_start3A_181] : memref<16384x128xf32, #tpu.memory_space<hbm>> -> memref<64x128xf32, #tpu.memory_space<hbm>>
      tpu.enqueue_dma source(%arg25 : memref<64x128xf32, #tpu.memory_space<vmem>>) target(%dma_start3A_182 : memref<64x128xf32, #tpu.memory_space<hbm>>) target_semaphore(%arg29 : memref<!tpu.dma_semaphore, #tpu.memory_space<semaphore_mem>>)
    }
    %scan3A_26 = arith.constant 4 : i32
    %dma_wait3A = arith.constant 0 : i32
    %dma_wait3A_27 = tpu.memref_slice %arg10[%mul3A_2, %dma_wait3A] : memref<16384x128xf32, #tpu.memory_space<hbm>> -> memref<64x128xf32, #tpu.memory_space<hbm>>
    %dma_wait3A_28 = arith.constant 0 : i32
    %dma_wait3A_29 = tpu.memref_slice %arg10[%mul3A_2, %dma_wait3A_28] : memref<16384x128xf32, #tpu.memory_space<hbm>> -> memref<64x128xf32, #tpu.memory_space<hbm>>
    tpu.wait_dma2 semaphore(%arg29 : memref<!tpu.dma_semaphore, #tpu.memory_space<semaphore_mem>>) src(%arg22 : memref<64x128xf32, #tpu.memory_space<vmem>>) dst(%dma_wait3A_29 : memref<64x128xf32, #tpu.memory_space<hbm>>)
    %dma_wait3A_30 = arith.constant 0 : i32
    %dma_wait3A_31 = tpu.memref_slice %arg11[%mul3A_2, %dma_wait3A_30] : memref<16384x128xf32, #tpu.memory_space<hbm>> -> memref<64x128xf32, #tpu.memory_space<hbm>>
    %dma_wait3A_32 = arith.constant 0 : i32
    %dma_wait3A_33 = tpu.memref_slice %arg11[%mul3A_2, %dma_wait3A_32] : memref<16384x128xf32, #tpu.memory_space<hbm>> -> memref<64x128xf32, #tpu.memory_space<hbm>>
    tpu.wait_dma2 semaphore(%arg29 : memref<!tpu.dma_semaphore, #tpu.memory_space<semaphore_mem>>) src(%arg23 : memref<64x128xf32, #tpu.memory_space<vmem>>) dst(%dma_wait3A_33 : memref<64x128xf32, #tpu.memory_space<hbm>>)
    %dma_wait3A_34 = arith.constant 0 : i32
    %dma_wait3A_35 = tpu.memref_slice %arg12[%mul3A_2, %dma_wait3A_34] : memref<16384x128xf32, #tpu.memory_space<hbm>> -> memref<64x128xf32, #tpu.memory_space<hbm>>
    %dma_wait3A_36 = arith.constant 0 : i32
    %dma_wait3A_37 = tpu.memref_slice %arg12[%mul3A_2, %dma_wait3A_36] : memref<16384x128xf32, #tpu.memory_space<hbm>> -> memref<64x128xf32, #tpu.memory_space<hbm>>
    tpu.wait_dma2 semaphore(%arg29 : memref<!tpu.dma_semaphore, #tpu.memory_space<semaphore_mem>>) src(%arg24 : memref<64x128xf32, #tpu.memory_space<vmem>>) dst(%dma_wait3A_37 : memref<64x128xf32, #tpu.memory_space<hbm>>)
    %dma_wait3A_38 = arith.constant 0 : i32
    %dma_wait3A_39 = tpu.memref_slice %arg13[%mul3A_2, %dma_wait3A_38] : memref<16384x128xf32, #tpu.memory_space<hbm>> -> memref<64x128xf32, #tpu.memory_space<hbm>>
    %dma_wait3A_40 = arith.constant 0 : i32
    %dma_wait3A_41 = tpu.memref_slice %arg13[%mul3A_2, %dma_wait3A_40] : memref<16384x128xf32, #tpu.memory_space<hbm>> -> memref<64x128xf32, #tpu.memory_space<hbm>>
    tpu.wait_dma2 semaphore(%arg29 : memref<!tpu.dma_semaphore, #tpu.memory_space<semaphore_mem>>) src(%arg25 : memref<64x128xf32, #tpu.memory_space<vmem>>) dst(%dma_wait3A_41 : memref<64x128xf32, #tpu.memory_space<hbm>>)
    return
  }
}

#map = affine_map<(d0, d1) -> (0)>
#map1 = affine_map<(d0, d1) -> (0, 0)>
module attributes {stable_mosaic.version = 14 : i64} {
  func.func @_sc_gather_gmf(%arg0: i32, %arg1: i32, %arg2: memref<16384xi32, #tpu.memory_space<hbm>>, %arg3: memref<16384xi32, #tpu.memory_space<hbm>>, %arg4: memref<100000x128xf32, #tpu.memory_space<hbm>>, %arg5: memref<16384x128xf32, #tpu.memory_space<hbm>>, %arg6: memref<512xi32, #tpu.memory_space<vmem>>, %arg7: memref<512xi32, #tpu.memory_space<vmem>>, %arg8: memref<64x128xf32, #tpu.memory_space<vmem>>, %arg9: memref<64x128xf32, #tpu.memory_space<vmem>>, %arg10: memref<64x128xf32, #tpu.memory_space<vmem>>, %arg11: memref<64x128xf32, #tpu.memory_space<vmem>>, %arg12: memref<!tpu.dma_semaphore, #tpu.memory_space<semaphore_mem>>, %arg13: memref<!tpu.dma_semaphore, #tpu.memory_space<semaphore_mem>>, %arg14: memref<!tpu.dma_semaphore, #tpu.memory_space<semaphore_mem>>, %arg15: memref<!tpu.dma_semaphore, #tpu.memory_space<semaphore_mem>>) attributes {dimension_semantics = [#tpu.dimension_semantics<core_parallel>, #tpu.dimension_semantics<subcore_parallel>], iteration_bounds = array<i64: 2, 16>, scalar_prefetch = 0 : i64, scratch_operands = 10 : i64, tpu.core_type = #tpu.core_type<sc_vector_subcore>, window_params = [{transform_indices = #map}, {transform_indices = #map}, {transform_indices = #map1}, {transform_indices = #map1}]} {
    %mul3A = arith.constant 2 : i32
    %mul3A_0 = arith.muli %arg1, %mul3A : i32
    %add3A = arith.addi %mul3A_0, %arg0 : i32
    %mul3A_1 = arith.constant 512 : i32
    %mul3A_2 = arith.muli %add3A, %mul3A_1 : i32
    "tpu.region"() ({
      %run_scoped3A = tpu.sem_alloc : memref<!tpu.dma_semaphore, #tpu.memory_space<semaphore_mem>>
      %dma_start3A_36 = tpu.memref_slice %arg2[%mul3A_2] : memref<16384xi32, #tpu.memory_space<hbm>> -> memref<512xi32, #tpu.memory_space<hbm>>
      %dma_start3A_37 = tpu.memref_slice %arg2[%mul3A_2] : memref<16384xi32, #tpu.memory_space<hbm>> -> memref<512xi32, #tpu.memory_space<hbm>>
      tpu.enqueue_dma source(%dma_start3A_37 : memref<512xi32, #tpu.memory_space<hbm>>) target(%arg6 : memref<512xi32, #tpu.memory_space<vmem>>) target_semaphore(%run_scoped3A : memref<!tpu.dma_semaphore, #tpu.memory_space<semaphore_mem>>)
      %dma_wait3A_38 = tpu.memref_slice %arg2[%mul3A_2] : memref<16384xi32, #tpu.memory_space<hbm>> -> memref<512xi32, #tpu.memory_space<hbm>>
      %dma_wait3A_39 = tpu.memref_slice %arg2[%mul3A_2] : memref<16384xi32, #tpu.memory_space<hbm>> -> memref<512xi32, #tpu.memory_space<hbm>>
      tpu.wait_dma2 semaphore(%run_scoped3A : memref<!tpu.dma_semaphore, #tpu.memory_space<semaphore_mem>>) src(%dma_wait3A_39 : memref<512xi32, #tpu.memory_space<hbm>>) dst(%arg6 : memref<512xi32, #tpu.memory_space<vmem>>)
      tpu.yield
    }) : () -> ()
    "tpu.region"() ({
      %run_scoped3A = tpu.sem_alloc : memref<!tpu.dma_semaphore, #tpu.memory_space<semaphore_mem>>
      %dma_start3A_36 = tpu.memref_slice %arg3[%mul3A_2] : memref<16384xi32, #tpu.memory_space<hbm>> -> memref<512xi32, #tpu.memory_space<hbm>>
      %dma_start3A_37 = tpu.memref_slice %arg3[%mul3A_2] : memref<16384xi32, #tpu.memory_space<hbm>> -> memref<512xi32, #tpu.memory_space<hbm>>
      tpu.enqueue_dma source(%dma_start3A_37 : memref<512xi32, #tpu.memory_space<hbm>>) target(%arg7 : memref<512xi32, #tpu.memory_space<vmem>>) target_semaphore(%run_scoped3A : memref<!tpu.dma_semaphore, #tpu.memory_space<semaphore_mem>>)
      %dma_wait3A_38 = tpu.memref_slice %arg3[%mul3A_2] : memref<16384xi32, #tpu.memory_space<hbm>> -> memref<512xi32, #tpu.memory_space<hbm>>
      %dma_wait3A_39 = tpu.memref_slice %arg3[%mul3A_2] : memref<16384xi32, #tpu.memory_space<hbm>> -> memref<512xi32, #tpu.memory_space<hbm>>
      tpu.wait_dma2 semaphore(%run_scoped3A : memref<!tpu.dma_semaphore, #tpu.memory_space<semaphore_mem>>) src(%dma_wait3A_39 : memref<512xi32, #tpu.memory_space<hbm>>) dst(%arg7 : memref<512xi32, #tpu.memory_space<vmem>>)
      tpu.yield
    }) : () -> ()
    %dma_start3A = arith.constant 0 : i32
    %dma_start3A_3 = tpu.memref_slice %arg6[%dma_start3A] : memref<512xi32, #tpu.memory_space<vmem>> -> memref<64xi32, #tpu.memory_space<vmem>>
    %dma_start3A_4 = arith.constant 0 : i32
    %dma_start3A_5 = arith.constant 0 : i32
    %dma_start3A_6 = tpu.memref_slice %arg4[%dma_start3A_4, %dma_start3A_5] : memref<100000x128xf32, #tpu.memory_space<hbm>> -> memref<100000x128xf32, #tpu.memory_space<hbm>>
    tpu.enqueue_indirect_dma source(%dma_start3A_6 : memref<100000x128xf32, #tpu.memory_space<hbm>>) target(%arg8 : memref<64x128xf32, #tpu.memory_space<vmem>>) offsets(%dma_start3A_3 : memref<64xi32, #tpu.memory_space<vmem>>) semaphore(%arg12 : memref<!tpu.dma_semaphore, #tpu.memory_space<semaphore_mem>>)
    %dma_start3A_7 = arith.constant 0 : i32
    %dma_start3A_8 = tpu.memref_slice %arg7[%dma_start3A_7] : memref<512xi32, #tpu.memory_space<vmem>> -> memref<64xi32, #tpu.memory_space<vmem>>
    %dma_start3A_9 = arith.constant 0 : i32
    %dma_start3A_10 = arith.constant 0 : i32
    %dma_start3A_11 = tpu.memref_slice %arg4[%dma_start3A_9, %dma_start3A_10] : memref<100000x128xf32, #tpu.memory_space<hbm>> -> memref<100000x128xf32, #tpu.memory_space<hbm>>
    tpu.enqueue_indirect_dma source(%dma_start3A_11 : memref<100000x128xf32, #tpu.memory_space<hbm>>) target(%arg9 : memref<64x128xf32, #tpu.memory_space<vmem>>) offsets(%dma_start3A_8 : memref<64xi32, #tpu.memory_space<vmem>>) semaphore(%arg12 : memref<!tpu.dma_semaphore, #tpu.memory_space<semaphore_mem>>)
    %scan3A = arith.constant 0 : i32
    %scan3A_12 = arith.constant 0 : i32
    %scan3A_13 = arith.constant 4 : i32
    %scan3A_14 = arith.addi %scan3A_12, %scan3A_13 : i32
    %scan3A_15 = arith.constant 1 : i32
    scf.for %scan3A_36 = %scan3A_12 to %scan3A_14 step %scan3A_15  : i32 {
      %mul3A_37 = arith.constant 2 : i32
      %mul3A_38 = arith.muli %mul3A_37, %scan3A_36 : i32
      %dma_wait3A_39 = arith.constant 0 : i32
      %dma_wait3A_40 = arith.constant 0 : i32
      %dma_wait3A_41 = tpu.memref_slice %arg4[%dma_wait3A_39, %dma_wait3A_40] : memref<100000x128xf32, #tpu.memory_space<hbm>> -> memref<64x128xf32, #tpu.memory_space<hbm>>
      %dma_wait3A_42 = arith.constant 0 : i32
      %dma_wait3A_43 = arith.constant 0 : i32
      %dma_wait3A_44 = tpu.memref_slice %arg4[%dma_wait3A_42, %dma_wait3A_43] : memref<100000x128xf32, #tpu.memory_space<hbm>> -> memref<64x128xf32, #tpu.memory_space<hbm>>
      tpu.wait_dma2 semaphore(%arg12 : memref<!tpu.dma_semaphore, #tpu.memory_space<semaphore_mem>>) src(%dma_wait3A_44 : memref<64x128xf32, #tpu.memory_space<hbm>>) dst(%arg8 : memref<64x128xf32, #tpu.memory_space<vmem>>)
      %dma_wait3A_45 = arith.constant 0 : i32
      %dma_wait3A_46 = arith.constant 0 : i32
      %dma_wait3A_47 = tpu.memref_slice %arg4[%dma_wait3A_45, %dma_wait3A_46] : memref<100000x128xf32, #tpu.memory_space<hbm>> -> memref<64x128xf32, #tpu.memory_space<hbm>>
      %dma_wait3A_48 = arith.constant 0 : i32
      %dma_wait3A_49 = arith.constant 0 : i32
      %dma_wait3A_50 = tpu.memref_slice %arg4[%dma_wait3A_48, %dma_wait3A_49] : memref<100000x128xf32, #tpu.memory_space<hbm>> -> memref<64x128xf32, #tpu.memory_space<hbm>>
      tpu.wait_dma2 semaphore(%arg12 : memref<!tpu.dma_semaphore, #tpu.memory_space<semaphore_mem>>) src(%dma_wait3A_50 : memref<64x128xf32, #tpu.memory_space<hbm>>) dst(%arg9 : memref<64x128xf32, #tpu.memory_space<vmem>>)
      %gt3A = arith.constant 0 : i32
      %gt3A_51 = arith.cmpi sgt, %scan3A_36, %gt3A : i32
      %convert_element_type3A = arith.extui %gt3A_51 : i1 to i32
      %cond3A = arith.constant 0 : i32
      %cond3A_52 = arith.cmpi ne, %convert_element_type3A, %cond3A : i32
      scf.if %cond3A_52 {
        %dma_wait3A_153 = arith.constant 0 : i32
        %dma_wait3A_154 = arith.constant 0 : i32
        %dma_wait3A_155 = tpu.memref_slice %arg10[%dma_wait3A_153, %dma_wait3A_154] : memref<64x128xf32, #tpu.memory_space<vmem>> -> memref<64x64xf32, #tpu.memory_space<vmem>>
        %dma_wait3A_156 = arith.constant 0 : i32
        %dma_wait3A_157 = tpu.memref_slice %arg5[%mul3A_2, %dma_wait3A_156] : memref<16384x128xf32, #tpu.memory_space<hbm>> -> memref<64x64xf32, #tpu.memory_space<hbm>>
        %dma_wait3A_158 = arith.constant 0 : i32
        %dma_wait3A_159 = tpu.memref_slice %arg5[%mul3A_2, %dma_wait3A_158] : memref<16384x128xf32, #tpu.memory_space<hbm>> -> memref<64x64xf32, #tpu.memory_space<hbm>>
        %dma_wait3A_160 = arith.constant 0 : i32
        %dma_wait3A_161 = arith.constant 0 : i32
        %dma_wait3A_162 = tpu.memref_slice %arg10[%dma_wait3A_160, %dma_wait3A_161] : memref<64x128xf32, #tpu.memory_space<vmem>> -> memref<64x64xf32, #tpu.memory_space<vmem>>
        tpu.wait_dma2 semaphore(%arg15 : memref<!tpu.dma_semaphore, #tpu.memory_space<semaphore_mem>>) src(%dma_wait3A_162 : memref<64x64xf32, #tpu.memory_space<vmem>>) dst(%dma_wait3A_159 : memref<64x64xf32, #tpu.memory_space<hbm>>)
        %dma_wait3A_163 = arith.constant 0 : i32
        %dma_wait3A_164 = arith.constant 64 : i32
        %dma_wait3A_165 = tpu.memref_slice %arg11[%dma_wait3A_163, %dma_wait3A_164] : memref<64x128xf32, #tpu.memory_space<vmem>> -> memref<64x64xf32, #tpu.memory_space<vmem>>
        %dma_wait3A_166 = arith.constant 64 : i32
        %dma_wait3A_167 = tpu.memref_slice %arg5[%mul3A_2, %dma_wait3A_166] : memref<16384x128xf32, #tpu.memory_space<hbm>> -> memref<64x64xf32, #tpu.memory_space<hbm>>
        %dma_wait3A_168 = arith.constant 64 : i32
        %dma_wait3A_169 = tpu.memref_slice %arg5[%mul3A_2, %dma_wait3A_168] : memref<16384x128xf32, #tpu.memory_space<hbm>> -> memref<64x64xf32, #tpu.memory_space<hbm>>
        %dma_wait3A_170 = arith.constant 0 : i32
        %dma_wait3A_171 = arith.constant 64 : i32
        %dma_wait3A_172 = tpu.memref_slice %arg11[%dma_wait3A_170, %dma_wait3A_171] : memref<64x128xf32, #tpu.memory_space<vmem>> -> memref<64x64xf32, #tpu.memory_space<vmem>>
        tpu.wait_dma2 semaphore(%arg15 : memref<!tpu.dma_semaphore, #tpu.memory_space<semaphore_mem>>) src(%dma_wait3A_172 : memref<64x64xf32, #tpu.memory_space<vmem>>) dst(%dma_wait3A_169 : memref<64x64xf32, #tpu.memory_space<hbm>>)
      } else {
      }
      %add3A_53 = arith.constant 1 : i32
      %add3A_54 = arith.addi %mul3A_38, %add3A_53 : i32
      %mul3A_55 = arith.constant 64 : i32
      %mul3A_56 = arith.muli %add3A_54, %mul3A_55 : i32
      %dma_start3A_57 = tpu.memref_slice %arg6[%mul3A_56] : memref<512xi32, #tpu.memory_space<vmem>> -> memref<64xi32, #tpu.memory_space<vmem>>
      %dma_start3A_58 = arith.constant 0 : i32
      %dma_start3A_59 = arith.constant 0 : i32
      %dma_start3A_60 = tpu.memref_slice %arg4[%dma_start3A_58, %dma_start3A_59] : memref<100000x128xf32, #tpu.memory_space<hbm>> -> memref<100000x128xf32, #tpu.memory_space<hbm>>
      tpu.enqueue_indirect_dma source(%dma_start3A_60 : memref<100000x128xf32, #tpu.memory_space<hbm>>) target(%arg10 : memref<64x128xf32, #tpu.memory_space<vmem>>) offsets(%dma_start3A_57 : memref<64xi32, #tpu.memory_space<vmem>>) semaphore(%arg13 : memref<!tpu.dma_semaphore, #tpu.memory_space<semaphore_mem>>)
      %mul3A_61 = arith.constant 64 : i32
      %mul3A_62 = arith.muli %add3A_54, %mul3A_61 : i32
      %dma_start3A_63 = tpu.memref_slice %arg7[%mul3A_62] : memref<512xi32, #tpu.memory_space<vmem>> -> memref<64xi32, #tpu.memory_space<vmem>>
      %dma_start3A_64 = arith.constant 0 : i32
      %dma_start3A_65 = arith.constant 0 : i32
      %dma_start3A_66 = tpu.memref_slice %arg4[%dma_start3A_64, %dma_start3A_65] : memref<100000x128xf32, #tpu.memory_space<hbm>> -> memref<100000x128xf32, #tpu.memory_space<hbm>>
      tpu.enqueue_indirect_dma source(%dma_start3A_66 : memref<100000x128xf32, #tpu.memory_space<hbm>>) target(%arg11 : memref<64x128xf32, #tpu.memory_space<vmem>>) offsets(%dma_start3A_63 : memref<64xi32, #tpu.memory_space<vmem>>) semaphore(%arg13 : memref<!tpu.dma_semaphore, #tpu.memory_space<semaphore_mem>>)
      %mul3A_67 = arith.constant 64 : i32
      %mul3A_68 = arith.muli %mul3A_38, %mul3A_67 : i32
      %add3A_69 = arith.addi %mul3A_2, %mul3A_68 : i32
      %dma_start3A_70 = arith.constant 0 : i32
      %dma_start3A_71 = arith.constant 0 : i32
      %dma_start3A_72 = tpu.memref_slice %arg8[%dma_start3A_70, %dma_start3A_71] : memref<64x128xf32, #tpu.memory_space<vmem>> -> memref<64x64xf32, #tpu.memory_space<vmem>>
      %dma_start3A_73 = arith.constant 0 : i32
      %dma_start3A_74 = tpu.memref_slice %arg5[%add3A_69, %dma_start3A_73] : memref<16384x128xf32, #tpu.memory_space<hbm>> -> memref<64x64xf32, #tpu.memory_space<hbm>>
      %dma_start3A_75 = arith.constant 0 : i32
      %dma_start3A_76 = tpu.memref_slice %arg5[%add3A_69, %dma_start3A_75] : memref<16384x128xf32, #tpu.memory_space<hbm>> -> memref<64x64xf32, #tpu.memory_space<hbm>>
      %dma_start3A_77 = arith.constant 0 : i32
      %dma_start3A_78 = arith.constant 0 : i32
      %dma_start3A_79 = tpu.memref_slice %arg8[%dma_start3A_77, %dma_start3A_78] : memref<64x128xf32, #tpu.memory_space<vmem>> -> memref<64x64xf32, #tpu.memory_space<vmem>>
      tpu.enqueue_dma source(%dma_start3A_79 : memref<64x64xf32, #tpu.memory_space<vmem>>) target(%dma_start3A_76 : memref<64x64xf32, #tpu.memory_space<hbm>>) target_semaphore(%arg14 : memref<!tpu.dma_semaphore, #tpu.memory_space<semaphore_mem>>)
      %dma_start3A_80 = arith.constant 0 : i32
      %dma_start3A_81 = arith.constant 64 : i32
      %dma_start3A_82 = tpu.memref_slice %arg9[%dma_start3A_80, %dma_start3A_81] : memref<64x128xf32, #tpu.memory_space<vmem>> -> memref<64x64xf32, #tpu.memory_space<vmem>>
      %dma_start3A_83 = arith.constant 64 : i32
      %dma_start3A_84 = tpu.memref_slice %arg5[%add3A_69, %dma_start3A_83] : memref<16384x128xf32, #tpu.memory_space<hbm>> -> memref<64x64xf32, #tpu.memory_space<hbm>>
      %dma_start3A_85 = arith.constant 64 : i32
      %dma_start3A_86 = tpu.memref_slice %arg5[%add3A_69, %dma_start3A_85] : memref<16384x128xf32, #tpu.memory_space<hbm>> -> memref<64x64xf32, #tpu.memory_space<hbm>>
      %dma_start3A_87 = arith.constant 0 : i32
      %dma_start3A_88 = arith.constant 64 : i32
      %dma_start3A_89 = tpu.memref_slice %arg9[%dma_start3A_87, %dma_start3A_88] : memref<64x128xf32, #tpu.memory_space<vmem>> -> memref<64x64xf32, #tpu.memory_space<vmem>>
      tpu.enqueue_dma source(%dma_start3A_89 : memref<64x64xf32, #tpu.memory_space<vmem>>) target(%dma_start3A_86 : memref<64x64xf32, #tpu.memory_space<hbm>>) target_semaphore(%arg14 : memref<!tpu.dma_semaphore, #tpu.memory_space<semaphore_mem>>)
      %dma_wait3A_90 = arith.constant 0 : i32
      %dma_wait3A_91 = arith.constant 0 : i32
      %dma_wait3A_92 = tpu.memref_slice %arg4[%dma_wait3A_90, %dma_wait3A_91] : memref<100000x128xf32, #tpu.memory_space<hbm>> -> memref<64x128xf32, #tpu.memory_space<hbm>>
      %dma_wait3A_93 = arith.constant 0 : i32
      %dma_wait3A_94 = arith.constant 0 : i32
      %dma_wait3A_95 = tpu.memref_slice %arg4[%dma_wait3A_93, %dma_wait3A_94] : memref<100000x128xf32, #tpu.memory_space<hbm>> -> memref<64x128xf32, #tpu.memory_space<hbm>>
      tpu.wait_dma2 semaphore(%arg13 : memref<!tpu.dma_semaphore, #tpu.memory_space<semaphore_mem>>) src(%dma_wait3A_95 : memref<64x128xf32, #tpu.memory_space<hbm>>) dst(%arg10 : memref<64x128xf32, #tpu.memory_space<vmem>>)
      %dma_wait3A_96 = arith.constant 0 : i32
      %dma_wait3A_97 = arith.constant 0 : i32
      %dma_wait3A_98 = tpu.memref_slice %arg4[%dma_wait3A_96, %dma_wait3A_97] : memref<100000x128xf32, #tpu.memory_space<hbm>> -> memref<64x128xf32, #tpu.memory_space<hbm>>
      %dma_wait3A_99 = arith.constant 0 : i32
      %dma_wait3A_100 = arith.constant 0 : i32
      %dma_wait3A_101 = tpu.memref_slice %arg4[%dma_wait3A_99, %dma_wait3A_100] : memref<100000x128xf32, #tpu.memory_space<hbm>> -> memref<64x128xf32, #tpu.memory_space<hbm>>
      tpu.wait_dma2 semaphore(%arg13 : memref<!tpu.dma_semaphore, #tpu.memory_space<semaphore_mem>>) src(%dma_wait3A_101 : memref<64x128xf32, #tpu.memory_space<hbm>>) dst(%arg11 : memref<64x128xf32, #tpu.memory_space<vmem>>)
      %dma_wait3A_102 = arith.constant 0 : i32
      %dma_wait3A_103 = arith.constant 0 : i32
      %dma_wait3A_104 = tpu.memref_slice %arg8[%dma_wait3A_102, %dma_wait3A_103] : memref<64x128xf32, #tpu.memory_space<vmem>> -> memref<64x64xf32, #tpu.memory_space<vmem>>
      %dma_wait3A_105 = arith.constant 0 : i32
      %dma_wait3A_106 = tpu.memref_slice %arg5[%mul3A_2, %dma_wait3A_105] : memref<16384x128xf32, #tpu.memory_space<hbm>> -> memref<64x64xf32, #tpu.memory_space<hbm>>
      %dma_wait3A_107 = arith.constant 0 : i32
      %dma_wait3A_108 = tpu.memref_slice %arg5[%mul3A_2, %dma_wait3A_107] : memref<16384x128xf32, #tpu.memory_space<hbm>> -> memref<64x64xf32, #tpu.memory_space<hbm>>
      %dma_wait3A_109 = arith.constant 0 : i32
      %dma_wait3A_110 = arith.constant 0 : i32
      %dma_wait3A_111 = tpu.memref_slice %arg8[%dma_wait3A_109, %dma_wait3A_110] : memref<64x128xf32, #tpu.memory_space<vmem>> -> memref<64x64xf32, #tpu.memory_space<vmem>>
      tpu.wait_dma2 semaphore(%arg14 : memref<!tpu.dma_semaphore, #tpu.memory_space<semaphore_mem>>) src(%dma_wait3A_111 : memref<64x64xf32, #tpu.memory_space<vmem>>) dst(%dma_wait3A_108 : memref<64x64xf32, #tpu.memory_space<hbm>>)
      %dma_wait3A_112 = arith.constant 0 : i32
      %dma_wait3A_113 = arith.constant 64 : i32
      %dma_wait3A_114 = tpu.memref_slice %arg9[%dma_wait3A_112, %dma_wait3A_113] : memref<64x128xf32, #tpu.memory_space<vmem>> -> memref<64x64xf32, #tpu.memory_space<vmem>>
      %dma_wait3A_115 = arith.constant 64 : i32
      %dma_wait3A_116 = tpu.memref_slice %arg5[%mul3A_2, %dma_wait3A_115] : memref<16384x128xf32, #tpu.memory_space<hbm>> -> memref<64x64xf32, #tpu.memory_space<hbm>>
      %dma_wait3A_117 = arith.constant 64 : i32
      %dma_wait3A_118 = tpu.memref_slice %arg5[%mul3A_2, %dma_wait3A_117] : memref<16384x128xf32, #tpu.memory_space<hbm>> -> memref<64x64xf32, #tpu.memory_space<hbm>>
      %dma_wait3A_119 = arith.constant 0 : i32
      %dma_wait3A_120 = arith.constant 64 : i32
      %dma_wait3A_121 = tpu.memref_slice %arg9[%dma_wait3A_119, %dma_wait3A_120] : memref<64x128xf32, #tpu.memory_space<vmem>> -> memref<64x64xf32, #tpu.memory_space<vmem>>
      tpu.wait_dma2 semaphore(%arg14 : memref<!tpu.dma_semaphore, #tpu.memory_space<semaphore_mem>>) src(%dma_wait3A_121 : memref<64x64xf32, #tpu.memory_space<vmem>>) dst(%dma_wait3A_118 : memref<64x64xf32, #tpu.memory_space<hbm>>)
      %add3A_122 = arith.constant 1 : i32
      %add3A_123 = arith.addi %scan3A_36, %add3A_122 : i32
      %lt3A = arith.constant 4 : i32
      %lt3A_124 = arith.cmpi slt, %add3A_123, %lt3A : i32
      %convert_element_type3A_125 = arith.extui %lt3A_124 : i1 to i32
      %cond3A_126 = arith.constant 0 : i32
      %cond3A_127 = arith.cmpi ne, %convert_element_type3A_125, %cond3A_126 : i32
      scf.if %cond3A_127 {
        %add3A_153 = arith.constant 2 : i32
        %add3A_154 = arith.addi %mul3A_38, %add3A_153 : i32
        %mul3A_155 = arith.constant 64 : i32
        %mul3A_156 = arith.muli %add3A_154, %mul3A_155 : i32
        %dma_start3A_157 = tpu.memref_slice %arg6[%mul3A_156] : memref<512xi32, #tpu.memory_space<vmem>> -> memref<64xi32, #tpu.memory_space<vmem>>
        %dma_start3A_158 = arith.constant 0 : i32
        %dma_start3A_159 = arith.constant 0 : i32
        %dma_start3A_160 = tpu.memref_slice %arg4[%dma_start3A_158, %dma_start3A_159] : memref<100000x128xf32, #tpu.memory_space<hbm>> -> memref<100000x128xf32, #tpu.memory_space<hbm>>
        tpu.enqueue_indirect_dma source(%dma_start3A_160 : memref<100000x128xf32, #tpu.memory_space<hbm>>) target(%arg8 : memref<64x128xf32, #tpu.memory_space<vmem>>) offsets(%dma_start3A_157 : memref<64xi32, #tpu.memory_space<vmem>>) semaphore(%arg12 : memref<!tpu.dma_semaphore, #tpu.memory_space<semaphore_mem>>)
        %mul3A_161 = arith.constant 64 : i32
        %mul3A_162 = arith.muli %add3A_154, %mul3A_161 : i32
        %dma_start3A_163 = tpu.memref_slice %arg7[%mul3A_162] : memref<512xi32, #tpu.memory_space<vmem>> -> memref<64xi32, #tpu.memory_space<vmem>>
        %dma_start3A_164 = arith.constant 0 : i32
        %dma_start3A_165 = arith.constant 0 : i32
        %dma_start3A_166 = tpu.memref_slice %arg4[%dma_start3A_164, %dma_start3A_165] : memref<100000x128xf32, #tpu.memory_space<hbm>> -> memref<100000x128xf32, #tpu.memory_space<hbm>>
        tpu.enqueue_indirect_dma source(%dma_start3A_166 : memref<100000x128xf32, #tpu.memory_space<hbm>>) target(%arg9 : memref<64x128xf32, #tpu.memory_space<vmem>>) offsets(%dma_start3A_163 : memref<64xi32, #tpu.memory_space<vmem>>) semaphore(%arg12 : memref<!tpu.dma_semaphore, #tpu.memory_space<semaphore_mem>>)
      } else {
      }
      %add3A_128 = arith.constant 1 : i32
      %add3A_129 = arith.addi %mul3A_38, %add3A_128 : i32
      %mul3A_130 = arith.constant 64 : i32
      %mul3A_131 = arith.muli %add3A_129, %mul3A_130 : i32
      %add3A_132 = arith.addi %mul3A_2, %mul3A_131 : i32
      %dma_start3A_133 = arith.constant 0 : i32
      %dma_start3A_134 = arith.constant 0 : i32
      %dma_start3A_135 = tpu.memref_slice %arg10[%dma_start3A_133, %dma_start3A_134] : memref<64x128xf32, #tpu.memory_space<vmem>> -> memref<64x64xf32, #tpu.memory_space<vmem>>
      %dma_start3A_136 = arith.constant 0 : i32
      %dma_start3A_137 = tpu.memref_slice %arg5[%add3A_132, %dma_start3A_136] : memref<16384x128xf32, #tpu.memory_space<hbm>> -> memref<64x64xf32, #tpu.memory_space<hbm>>
      %dma_start3A_138 = arith.constant 0 : i32
      %dma_start3A_139 = tpu.memref_slice %arg5[%add3A_132, %dma_start3A_138] : memref<16384x128xf32, #tpu.memory_space<hbm>> -> memref<64x64xf32, #tpu.memory_space<hbm>>
      %dma_start3A_140 = arith.constant 0 : i32
      %dma_start3A_141 = arith.constant 0 : i32
      %dma_start3A_142 = tpu.memref_slice %arg10[%dma_start3A_140, %dma_start3A_141] : memref<64x128xf32, #tpu.memory_space<vmem>> -> memref<64x64xf32, #tpu.memory_space<vmem>>
      tpu.enqueue_dma source(%dma_start3A_142 : memref<64x64xf32, #tpu.memory_space<vmem>>) target(%dma_start3A_139 : memref<64x64xf32, #tpu.memory_space<hbm>>) target_semaphore(%arg15 : memref<!tpu.dma_semaphore, #tpu.memory_space<semaphore_mem>>)
      %dma_start3A_143 = arith.constant 0 : i32
      %dma_start3A_144 = arith.constant 64 : i32
      %dma_start3A_145 = tpu.memref_slice %arg11[%dma_start3A_143, %dma_start3A_144] : memref<64x128xf32, #tpu.memory_space<vmem>> -> memref<64x64xf32, #tpu.memory_space<vmem>>
      %dma_start3A_146 = arith.constant 64 : i32
      %dma_start3A_147 = tpu.memref_slice %arg5[%add3A_132, %dma_start3A_146] : memref<16384x128xf32, #tpu.memory_space<hbm>> -> memref<64x64xf32, #tpu.memory_space<hbm>>
      %dma_start3A_148 = arith.constant 64 : i32
      %dma_start3A_149 = tpu.memref_slice %arg5[%add3A_132, %dma_start3A_148] : memref<16384x128xf32, #tpu.memory_space<hbm>> -> memref<64x64xf32, #tpu.memory_space<hbm>>
      %dma_start3A_150 = arith.constant 0 : i32
      %dma_start3A_151 = arith.constant 64 : i32
      %dma_start3A_152 = tpu.memref_slice %arg11[%dma_start3A_150, %dma_start3A_151] : memref<64x128xf32, #tpu.memory_space<vmem>> -> memref<64x64xf32, #tpu.memory_space<vmem>>
      tpu.enqueue_dma source(%dma_start3A_152 : memref<64x64xf32, #tpu.memory_space<vmem>>) target(%dma_start3A_149 : memref<64x64xf32, #tpu.memory_space<hbm>>) target_semaphore(%arg15 : memref<!tpu.dma_semaphore, #tpu.memory_space<semaphore_mem>>)
    }
    %scan3A_16 = arith.constant 4 : i32
    %dma_wait3A = arith.constant 0 : i32
    %dma_wait3A_17 = arith.constant 0 : i32
    %dma_wait3A_18 = tpu.memref_slice %arg10[%dma_wait3A, %dma_wait3A_17] : memref<64x128xf32, #tpu.memory_space<vmem>> -> memref<64x64xf32, #tpu.memory_space<vmem>>
    %dma_wait3A_19 = arith.constant 0 : i32
    %dma_wait3A_20 = tpu.memref_slice %arg5[%mul3A_2, %dma_wait3A_19] : memref<16384x128xf32, #tpu.memory_space<hbm>> -> memref<64x64xf32, #tpu.memory_space<hbm>>
    %dma_wait3A_21 = arith.constant 0 : i32
    %dma_wait3A_22 = tpu.memref_slice %arg5[%mul3A_2, %dma_wait3A_21] : memref<16384x128xf32, #tpu.memory_space<hbm>> -> memref<64x64xf32, #tpu.memory_space<hbm>>
    %dma_wait3A_23 = arith.constant 0 : i32
    %dma_wait3A_24 = arith.constant 0 : i32
    %dma_wait3A_25 = tpu.memref_slice %arg10[%dma_wait3A_23, %dma_wait3A_24] : memref<64x128xf32, #tpu.memory_space<vmem>> -> memref<64x64xf32, #tpu.memory_space<vmem>>
    tpu.wait_dma2 semaphore(%arg15 : memref<!tpu.dma_semaphore, #tpu.memory_space<semaphore_mem>>) src(%dma_wait3A_25 : memref<64x64xf32, #tpu.memory_space<vmem>>) dst(%dma_wait3A_22 : memref<64x64xf32, #tpu.memory_space<hbm>>)
    %dma_wait3A_26 = arith.constant 0 : i32
    %dma_wait3A_27 = arith.constant 64 : i32
    %dma_wait3A_28 = tpu.memref_slice %arg11[%dma_wait3A_26, %dma_wait3A_27] : memref<64x128xf32, #tpu.memory_space<vmem>> -> memref<64x64xf32, #tpu.memory_space<vmem>>
    %dma_wait3A_29 = arith.constant 64 : i32
    %dma_wait3A_30 = tpu.memref_slice %arg5[%mul3A_2, %dma_wait3A_29] : memref<16384x128xf32, #tpu.memory_space<hbm>> -> memref<64x64xf32, #tpu.memory_space<hbm>>
    %dma_wait3A_31 = arith.constant 64 : i32
    %dma_wait3A_32 = tpu.memref_slice %arg5[%mul3A_2, %dma_wait3A_31] : memref<16384x128xf32, #tpu.memory_space<hbm>> -> memref<64x64xf32, #tpu.memory_space<hbm>>
    %dma_wait3A_33 = arith.constant 0 : i32
    %dma_wait3A_34 = arith.constant 64 : i32
    %dma_wait3A_35 = tpu.memref_slice %arg11[%dma_wait3A_33, %dma_wait3A_34] : memref<64x128xf32, #tpu.memory_space<vmem>> -> memref<64x64xf32, #tpu.memory_space<vmem>>
    tpu.wait_dma2 semaphore(%arg15 : memref<!tpu.dma_semaphore, #tpu.memory_space<semaphore_mem>>) src(%dma_wait3A_35 : memref<64x64xf32, #tpu.memory_space<vmem>>) dst(%dma_wait3A_32 : memref<64x64xf32, #tpu.memory_space<hbm>>)
    return
  }
}

module attributes {stable_mosaic.version = 14 : i64} {
  func.func @_tc_body(%arg0: i32, %arg1: memref<1024x128xf32, #tpu.memory_space<vmem>>, %arg2: memref<1024x128xf32, #tpu.memory_space<vmem>>, %arg3: memref<1024x128xf32, #tpu.memory_space<vmem>>, %arg4: memref<1024x128xf32, #tpu.memory_space<vmem>>, %arg5: memref<1024x128xf32, #tpu.memory_space<vmem>>, %arg6: memref<512x256xbf16, #tpu.memory_space<vmem>>, %arg7: memref<1x256xf32, #tpu.memory_space<vmem>>, %arg8: memref<256x128xbf16, #tpu.memory_space<vmem>>, %arg9: memref<1x128xf32, #tpu.memory_space<vmem>>, %arg10: memref<128x64xbf16, #tpu.memory_space<vmem>>, %arg11: memref<1x64xf32, #tpu.memory_space<vmem>>, %arg12: memref<64x32xbf16, #tpu.memory_space<vmem>>, %arg13: memref<1x32xf32, #tpu.memory_space<vmem>>, %arg14: memref<1x64xf32, #tpu.memory_space<vmem>>, %arg15: memref<1x32xf32, #tpu.memory_space<vmem>>, %arg16: memref<1x1xf32, #tpu.memory_space<vmem>>, %arg17: memref<1x1x1024xf32, #tpu.memory_space<vmem>>) attributes {dimension_semantics = [#tpu.dimension_semantics<arbitrary>], iteration_bounds = array<i64: 16>, scalar_prefetch = 0 : i64, scratch_operands = 0 : i64, tpu.core_type = #tpu.core_type<tc>, window_params = [{transform_indices = @transform_0, window_bounds = array<i64: 1024, 128>}, {transform_indices = @transform_1, window_bounds = array<i64: 1024, 128>}, {transform_indices = @transform_2, window_bounds = array<i64: 1024, 128>}, {transform_indices = @transform_3, window_bounds = array<i64: 1024, 128>}, {transform_indices = @transform_4, window_bounds = array<i64: 1024, 128>}, {pipeline_mode = #tpu.pipeline_mode<synchronous>, transform_indices = @transform_5, window_bounds = array<i64: 512, 256>}, {pipeline_mode = #tpu.pipeline_mode<synchronous>, transform_indices = @transform_6, window_bounds = array<i64: 1, 256>}, {pipeline_mode = #tpu.pipeline_mode<synchronous>, transform_indices = @transform_7, window_bounds = array<i64: 256, 128>}, {pipeline_mode = #tpu.pipeline_mode<synchronous>, transform_indices = @transform_8, window_bounds = array<i64: 1, 128>}, {pipeline_mode = #tpu.pipeline_mode<synchronous>, transform_indices = @transform_9, window_bounds = array<i64: 128, 64>}, {pipeline_mode = #tpu.pipeline_mode<synchronous>, transform_indices = @transform_10, window_bounds = array<i64: 1, 64>}, {pipeline_mode = #tpu.pipeline_mode<synchronous>, transform_indices = @transform_11, window_bounds = array<i64: 64, 32>}, {pipeline_mode = #tpu.pipeline_mode<synchronous>, transform_indices = @transform_12, window_bounds = array<i64: 1, 32>}, {pipeline_mode = #tpu.pipeline_mode<synchronous>, transform_indices = @transform_13, window_bounds = array<i64: 1, 64>}, {pipeline_mode = #tpu.pipeline_mode<synchronous>, transform_indices = @transform_14, window_bounds = array<i64: 1, 32>}, {pipeline_mode = #tpu.pipeline_mode<synchronous>, transform_indices = @transform_15, window_bounds = array<i64: 1, 1>}, {transform_indices = @transform_16, window_bounds = array<i64: 1, 1, 1024>}]} {
    %get3A = arith.constant 0 : index
    %get3A_0 = arith.constant 0 : index
    %get3A_1 = vector.load %arg2[%get3A, %get3A_0] : memref<1024x128xf32, #tpu.memory_space<vmem>>, vector<1024x128xf32>
    %get3A_2 = arith.constant 0 : index
    %get3A_3 = arith.constant 0 : index
    %get3A_4 = vector.load %arg3[%get3A_2, %get3A_3] : memref<1024x128xf32, #tpu.memory_space<vmem>>, vector<1024x128xf32>
    %get3A_5 = arith.constant 0 : index
    %get3A_6 = arith.constant 0 : index
    %get3A_7 = vector.load %arg4[%get3A_5, %get3A_6] : memref<1024x128xf32, #tpu.memory_space<vmem>>, vector<1024x128xf32>
    %get3A_8 = arith.constant 0 : index
    %get3A_9 = arith.constant 0 : index
    %get3A_10 = vector.load %arg5[%get3A_8, %get3A_9] : memref<1024x128xf32, #tpu.memory_space<vmem>>, vector<1024x128xf32>
    %concatenate3A = tpu.concatenate %get3A_1, %get3A_4, %get3A_7, %get3A_10 in 1 : vector<1024x128xf32>, vector<1024x128xf32>, vector<1024x128xf32>, vector<1024x128xf32> -> vector<1024x512xf32>
    %convert_element_type3A = arith.truncf %concatenate3A : vector<1024x512xf32> to vector<1024x512xbf16>
    %get3A_11 = arith.constant 0 : index
    %get3A_12 = arith.constant 0 : index
    %get3A_13 = vector.load %arg6[%get3A_11, %get3A_12] : memref<512x256xbf16, #tpu.memory_space<vmem>>, vector<512x256xbf16>
    %dot_general3A = arith.constant dense<0.000000e+00> : vector<1024x256xf32>
    %dot_general3A_14 = tpu.matmul %convert_element_type3A, %get3A_13, %dot_general3A {dimension_numbers = #tpu.dot_dimension_numbers<[1], [0], [0], [1], [0, 0, 1, 1], [], []>, transpose_lhs_hint = false} : vector<1024x512xbf16>, vector<512x256xbf16>, vector<1024x256xf32> -> vector<1024x256xf32>
    %get3A_15 = arith.constant 0 : index
    %get3A_16 = arith.constant 0 : index
    %get3A_17 = vector.load %arg7[%get3A_15, %get3A_16] : memref<1x256xf32, #tpu.memory_space<vmem>>, vector<1x256xf32>
    %add3A = vector.broadcast %get3A_17 : vector<1x256xf32> to vector<1024x256xf32>
    %add3A_18 = arith.addf %dot_general3A_14, %add3A : vector<1024x256xf32>
    %max3A = arith.constant 0.000000e+00 : f32
    %max3A_19 = vector.broadcast %max3A : f32 to vector<1024x256xf32>
    %max3A_20 = arith.maximumf %add3A_18, %max3A_19 : vector<1024x256xf32>
    %convert_element_type3A_21 = arith.truncf %max3A_20 : vector<1024x256xf32> to vector<1024x256xbf16>
    %get3A_22 = arith.constant 0 : index
    %get3A_23 = arith.constant 0 : index
    %get3A_24 = vector.load %arg8[%get3A_22, %get3A_23] : memref<256x128xbf16, #tpu.memory_space<vmem>>, vector<256x128xbf16>
    %dot_general3A_25 = arith.constant dense<0.000000e+00> : vector<1024x128xf32>
    %dot_general3A_26 = tpu.matmul %convert_element_type3A_21, %get3A_24, %dot_general3A_25 {dimension_numbers = #tpu.dot_dimension_numbers<[1], [0], [0], [1], [0, 0, 1, 1], [], []>, transpose_lhs_hint = false} : vector<1024x256xbf16>, vector<256x128xbf16>, vector<1024x128xf32> -> vector<1024x128xf32>
    %get3A_27 = arith.constant 0 : index
    %get3A_28 = arith.constant 0 : index
    %get3A_29 = vector.load %arg9[%get3A_27, %get3A_28] : memref<1x128xf32, #tpu.memory_space<vmem>>, vector<1x128xf32>
    %add3A_30 = vector.broadcast %get3A_29 : vector<1x128xf32> to vector<1024x128xf32>
    %add3A_31 = arith.addf %dot_general3A_26, %add3A_30 : vector<1024x128xf32>
    %max3A_32 = arith.constant 0.000000e+00 : f32
    %max3A_33 = vector.broadcast %max3A_32 : f32 to vector<1024x128xf32>
    %max3A_34 = arith.maximumf %add3A_31, %max3A_33 : vector<1024x128xf32>
    %convert_element_type3A_35 = arith.truncf %max3A_34 : vector<1024x128xf32> to vector<1024x128xbf16>
    %get3A_36 = arith.constant 0 : index
    %get3A_37 = arith.constant 0 : index
    %get3A_38 = vector.load %arg10[%get3A_36, %get3A_37] : memref<128x64xbf16, #tpu.memory_space<vmem>>, vector<128x64xbf16>
    %dot_general3A_39 = arith.constant dense<0.000000e+00> : vector<1024x64xf32>
    %dot_general3A_40 = tpu.matmul %convert_element_type3A_35, %get3A_38, %dot_general3A_39 {dimension_numbers = #tpu.dot_dimension_numbers<[1], [0], [0], [1], [0, 0, 1, 1], [], []>, transpose_lhs_hint = false} : vector<1024x128xbf16>, vector<128x64xbf16>, vector<1024x64xf32> -> vector<1024x64xf32>
    %get3A_41 = arith.constant 0 : index
    %get3A_42 = arith.constant 0 : index
    %get3A_43 = vector.load %arg11[%get3A_41, %get3A_42] : memref<1x64xf32, #tpu.memory_space<vmem>>, vector<1x64xf32>
    %add3A_44 = vector.broadcast %get3A_43 : vector<1x64xf32> to vector<1024x64xf32>
    %add3A_45 = arith.addf %dot_general3A_40, %add3A_44 : vector<1024x64xf32>
    %max3A_46 = arith.constant 0.000000e+00 : f32
    %max3A_47 = vector.broadcast %max3A_46 : f32 to vector<1024x64xf32>
    %max3A_48 = arith.maximumf %add3A_45, %max3A_47 : vector<1024x64xf32>
    %convert_element_type3A_49 = arith.truncf %max3A_48 : vector<1024x64xf32> to vector<1024x64xbf16>
    %get3A_50 = arith.constant 0 : index
    %get3A_51 = arith.constant 0 : index
    %get3A_52 = vector.load %arg12[%get3A_50, %get3A_51] : memref<64x32xbf16, #tpu.memory_space<vmem>>, vector<64x32xbf16>
    %dot_general3A_53 = arith.constant dense<0.000000e+00> : vector<1024x32xf32>
    %dot_general3A_54 = tpu.matmul %convert_element_type3A_49, %get3A_52, %dot_general3A_53 {dimension_numbers = #tpu.dot_dimension_numbers<[1], [0], [0], [1], [0, 0, 1, 1], [], []>, transpose_lhs_hint = false} : vector<1024x64xbf16>, vector<64x32xbf16>, vector<1024x32xf32> -> vector<1024x32xf32>
    %get3A_55 = arith.constant 0 : index
    %get3A_56 = arith.constant 0 : index
    %get3A_57 = vector.load %arg13[%get3A_55, %get3A_56] : memref<1x32xf32, #tpu.memory_space<vmem>>, vector<1x32xf32>
    %add3A_58 = vector.broadcast %get3A_57 : vector<1x32xf32> to vector<1024x32xf32>
    %add3A_59 = arith.addf %dot_general3A_54, %add3A_58 : vector<1024x32xf32>
    %max3A_60 = arith.constant 0.000000e+00 : f32
    %max3A_61 = vector.broadcast %max3A_60 : f32 to vector<1024x32xf32>
    %max3A_62 = arith.maximumf %add3A_59, %max3A_61 : vector<1024x32xf32>
    %get3A_63 = arith.constant 0 : index
    %get3A_64 = arith.constant 0 : index
    %get3A_65 = vector.load %arg1[%get3A_63, %get3A_64] : memref<1024x128xf32, #tpu.memory_space<vmem>>, vector<1024x128xf32>
    %slice3A = vector.extract_strided_slice %get3A_65 {offsets = [0, 0], sizes = [1024, 64], strides = [1, 1]} : vector<1024x128xf32> to vector<1024x64xf32>
    %slice3A_66 = vector.extract_strided_slice %get3A_65 {offsets = [0, 64], sizes = [1024, 64], strides = [1, 1]} : vector<1024x128xf32> to vector<1024x64xf32>
    %mul3A = arith.mulf %slice3A, %slice3A_66 : vector<1024x64xf32>
    %get3A_67 = arith.constant 0 : index
    %get3A_68 = arith.constant 0 : index
    %get3A_69 = vector.load %arg14[%get3A_67, %get3A_68] : memref<1x64xf32, #tpu.memory_space<vmem>>, vector<1x64xf32>
    %mul3A_70 = vector.broadcast %get3A_69 : vector<1x64xf32> to vector<1024x64xf32>
    %mul3A_71 = arith.mulf %mul3A, %mul3A_70 : vector<1024x64xf32>
    %reduce_sum3A = arith.constant dense<0.000000e+00> : vector<1024xf32>
    %reduce_sum3A_72 = vector.multi_reduction <add>, %mul3A_71, %reduce_sum3A [1] : vector<1024x64xf32> to vector<1024xf32>
    %get3A_73 = arith.constant 0 : index
    %get3A_74 = arith.constant 0 : index
    %get3A_75 = vector.load %arg15[%get3A_73, %get3A_74] : memref<1x32xf32, #tpu.memory_space<vmem>>, vector<1x32xf32>
    %mul3A_76 = vector.broadcast %get3A_75 : vector<1x32xf32> to vector<1024x32xf32>
    %mul3A_77 = arith.mulf %max3A_62, %mul3A_76 : vector<1024x32xf32>
    %reduce_sum3A_78 = arith.constant dense<0.000000e+00> : vector<1024xf32>
    %reduce_sum3A_79 = vector.multi_reduction <add>, %mul3A_77, %reduce_sum3A_78 [1] : vector<1024x32xf32> to vector<1024xf32>
    %add3A_80 = arith.addf %reduce_sum3A_72, %reduce_sum3A_79 : vector<1024xf32>
    %get3A_81 = arith.constant 0 : index
    %get3A_82 = arith.constant 0 : index
    %get3A_83 = vector.load %arg16[%get3A_81, %get3A_82] : memref<1x1xf32, #tpu.memory_space<vmem>>, vector<1x1xf32>
    %get3A_84 = vector.extract %get3A_83[0, 0] : f32 from vector<1x1xf32>
    %add3A_85 = vector.broadcast %get3A_84 : f32 to vector<1024xf32>
    %add3A_86 = arith.addf %add3A_80, %add3A_85 : vector<1024xf32>
    %neg3A = arith.constant 0.000000e+00 : f32
    %neg3A_87 = vector.broadcast %neg3A : f32 to vector<1024xf32>
    %neg3A_88 = arith.subf %neg3A_87, %add3A_86 : vector<1024xf32>
    %exp3A = math.exp %neg3A_88 : vector<1024xf32>
    %add3A_89 = arith.constant 1.000000e+00 : f32
    %add3A_90 = vector.broadcast %add3A_89 : f32 to vector<1024xf32>
    %add3A_91 = arith.addf %add3A_90, %exp3A : vector<1024xf32>
    %div3A = arith.constant 1.000000e+02 : f32
    %div3A_92 = vector.broadcast %div3A : f32 to vector<1024xf32>
    %div3A_93 = arith.divf %div3A_92, %add3A_91 : vector<1024xf32>
    %reshape3A = vector.shape_cast %div3A_93 : vector<1024xf32> to vector<1x1x1024xf32>
    %swap3A = arith.constant 0 : index
    %swap3A_94 = arith.constant 0 : index
    %swap3A_95 = arith.constant 0 : index
    %swap3A_96 = vector.load %arg17[%swap3A, %swap3A_94, %swap3A_95] : memref<1x1x1024xf32, #tpu.memory_space<vmem>>, vector<1x1x1024xf32>
    tpu.vector_store %arg17[%swap3A, %swap3A_94, %swap3A_95], %reshape3A {strides = array<i32>} : memref<1x1x1024xf32, #tpu.memory_space<vmem>>, vector<1x1x1024xf32>,
    return
  }
  func.func @transform_0(%arg0: i32) -> (i32, i32) {
    %c0_i32 = arith.constant 0 : i32
    %c0_i32_0 = arith.constant 0 : i32
    return %arg0, %c0_i32 : i32, i32
  }
  func.func @transform_1(%arg0: i32) -> (i32, i32) {
    %c0_i32 = arith.constant 0 : i32
    %c0_i32_0 = arith.constant 0 : i32
    return %arg0, %c0_i32 : i32, i32
  }
  func.func @transform_2(%arg0: i32) -> (i32, i32) {
    %c0_i32 = arith.constant 0 : i32
    %c0_i32_0 = arith.constant 0 : i32
    return %arg0, %c0_i32 : i32, i32
  }
  func.func @transform_3(%arg0: i32) -> (i32, i32) {
    %c0_i32 = arith.constant 0 : i32
    %c0_i32_0 = arith.constant 0 : i32
    return %arg0, %c0_i32 : i32, i32
  }
  func.func @transform_4(%arg0: i32) -> (i32, i32) {
    %c0_i32 = arith.constant 0 : i32
    %c0_i32_0 = arith.constant 0 : i32
    return %arg0, %c0_i32 : i32, i32
  }
  func.func @transform_5(%arg0: i32) -> (i32, i32) {
    %c0_i32 = arith.constant 0 : i32
    %c0_i32_0 = arith.constant 0 : i32
    %c0_i32_1 = arith.constant 0 : i32
    return %c0_i32, %c0_i32_0 : i32, i32
  }
  func.func @transform_6(%arg0: i32) -> (i32, i32) {
    %c0_i32 = arith.constant 0 : i32
    %c0_i32_0 = arith.constant 0 : i32
    %c0_i32_1 = arith.constant 0 : i32
    return %c0_i32, %c0_i32_0 : i32, i32
  }
  func.func @transform_7(%arg0: i32) -> (i32, i32) {
    %c0_i32 = arith.constant 0 : i32
    %c0_i32_0 = arith.constant 0 : i32
    %c0_i32_1 = arith.constant 0 : i32
    return %c0_i32, %c0_i32_0 : i32, i32
  }
  func.func @transform_8(%arg0: i32) -> (i32, i32) {
    %c0_i32 = arith.constant 0 : i32
    %c0_i32_0 = arith.constant 0 : i32
    %c0_i32_1 = arith.constant 0 : i32
    return %c0_i32, %c0_i32_0 : i32, i32
  }
  func.func @transform_9(%arg0: i32) -> (i32, i32) {
    %c0_i32 = arith.constant 0 : i32
    %c0_i32_0 = arith.constant 0 : i32
    %c0_i32_1 = arith.constant 0 : i32
    return %c0_i32, %c0_i32_0 : i32, i32
  }
  func.func @transform_10(%arg0: i32) -> (i32, i32) {
    %c0_i32 = arith.constant 0 : i32
    %c0_i32_0 = arith.constant 0 : i32
    %c0_i32_1 = arith.constant 0 : i32
    return %c0_i32, %c0_i32_0 : i32, i32
  }
  func.func @transform_11(%arg0: i32) -> (i32, i32) {
    %c0_i32 = arith.constant 0 : i32
    %c0_i32_0 = arith.constant 0 : i32
    %c0_i32_1 = arith.constant 0 : i32
    return %c0_i32, %c0_i32_0 : i32, i32
  }
  func.func @transform_12(%arg0: i32) -> (i32, i32) {
    %c0_i32 = arith.constant 0 : i32
    %c0_i32_0 = arith.constant 0 : i32
    %c0_i32_1 = arith.constant 0 : i32
    return %c0_i32, %c0_i32_0 : i32, i32
  }
  func.func @transform_13(%arg0: i32) -> (i32, i32) {
    %c0_i32 = arith.constant 0 : i32
    %c0_i32_0 = arith.constant 0 : i32
    %c0_i32_1 = arith.constant 0 : i32
    return %c0_i32, %c0_i32_0 : i32, i32
  }
  func.func @transform_14(%arg0: i32) -> (i32, i32) {
    %c0_i32 = arith.constant 0 : i32
    %c0_i32_0 = arith.constant 0 : i32
    %c0_i32_1 = arith.constant 0 : i32
    return %c0_i32, %c0_i32_0 : i32, i32
  }
  func.func @transform_15(%arg0: i32) -> (i32, i32) {
    %c0_i32 = arith.constant 0 : i32
    %c0_i32_0 = arith.constant 0 : i32
    %c0_i32_1 = arith.constant 0 : i32
    return %c0_i32, %c0_i32_0 : i32, i32
  }
  func.func @transform_16(%arg0: i32) -> (i32, i32, i32) {
    %c0_i32 = arith.constant 0 : i32
    %c0_i32_0 = arith.constant 0 : i32
    %c0_i32_1 = arith.constant 0 : i32
    return %arg0, %c0_i32, %c0_i32_0 : i32, i32, i32
  }
}

</mosaic_0001>

<sc_bundles>
// kernel: kernel.5.cloned.1.call-start
scs
__scs_entry_jumppad:
0x0: {  	(pc) =	sbr.rel $0x88, $3  }
0x1: {  	(tag) =	ssettag $0x0;
	lr =	simm.s32 $0x1  }
0x2: {  	[smem:$0x3F89] =	sst lr;
	_ =	strace $0xD0000000  }
0x3: {  	_ = 	snop  }
0x4: {  	_ = 	snop  }
0x5: {  	_ = 	snop  }
0x6: {  	_ = 	snop  }
0x7: {  	_ = 	snop  }
__scs_overlays_trampoline_lowered:
0x8: {  	[smem:$0x3F98] =	sst s0  }
0x9: {  	[smem:$0x3F99] =	sst s1  }
0xa: {  	[smem:$0x3F9A] =	sst s2  }
0xb: {  	[smem:$0x3F9B] =	sst s3  }
0xc: {  	[smem:$0x3F9C] =	sst s4  }
0xd: {  	[smem:$0x3F9D] =	sst s5  }
0xe: {  	[smem:$0x3F9E] =	sst s6  }
0xf: {  	[smem:$0x3F9F] =	sst s7  }
0x10: {  	[smem:$0x3FA0] =	sst s8  }
0x11: {  	[smem:$0x3FA1] =	sst s9;
	s0 =	simm.s32 @!p0 $0x0  }
0x12: {  	s1 =	sld [smem:$0x3F87];
	s0 =	simm.s32 @p0 $0x1  }
0x13: {  	[smem:$0x3FA2] =	sst s0;
	s0 =	simm.s32 @!p1 $0x0  }
0x14: {  	s2 =	sld [smem:$0x3F86];
	s0 =	simm.s32 @p1 $0x1  }
0x15: {  	[smem:$0x3FA3] =	sst s0;
	s0 =	simm.s32 @!p2 $0x0  }
0x16: {  	s3 =	sld [smem:$0x3FDB];
	s0 =	simm.s32 @p2 $0x1  }
0x17: {  	s4 =	simm.s32 $0x1BF5;
	[smem:$0x3FA5] =	sst s0  }
0x18: {  	s0 =	sld [smem:$0x3F88];
	_ =	swait.ge [sflag:s4], $0x0  }
0x19: {  	s7 =	sld [smem:$0x3F89]  }
0x1a: {  	s8 =	sadd.s32 $0xFFFFE003, lr  }
0x1b: {  	s9 =	sadd.s32 $0xFFFFFEF7, lr;
	s5 =	simm.s32 $0xFFFFFFFF;
	p2 =	slt.u32 s8, $0xFFFFF086  }
0x1c: {  	p1 =	slt.u32 s9, $0xF7A;
	s5 =	simm.s32 @!p2 $0x0  }
0x1d: {  	s5 =	simm.s32 @p1 $0x1;
	p0 =	seq.s32 s7, s2  }
0x1e: {  	s7 =	smul.u32 @!p0 $0xF7A, s2;
	p2 =	seq.s32 @!p0 s5, $0x0  }
0x1f: {  	s9 =	smul.u32 $0xF7A, s1;
	s8 =	simm.s32 @!p0 $0x1BF5;
	p2 =	por !p2, p0  }
0x20: {  	[sflag:s8] =	ssyncset.s32 @!p0 $0xFFFFF086;
	s6 =	sadd.s32 @!p0 s3, s7;
	s7 =	simm.s32 @!p0 $0x108  }
0x21: {  	s3 =	sadd.s32 s3, s9;
	s6 =	sadd.s32 @!p0 $0x88, s6;
	s7 =	simm.s32 @p2 $0x1082  }
0x22: {  	[simem:s7], [sflag:s8] =	dma.local @!p0 [hbm:s6], $0xF7A  }
0x23: {  	s9 =	sor.u32 $0xD0000000, s2;
	s6 =	simm.s32 $0x108;
	_ =	swait.ge @!p0 [sflag:s8], $0x0  }
0x24: {  	s3 =	sadd.s32 $0x88, s3;
	s6 =	simm.s32 @!p1 $0x1082;
	[sflag:s4] =	ssyncset.s32 $0xFFFFF086  }
0x25: {  	[simem:s6], [sflag:s4] =	dma.local [hbm:s3], $0xF7A  }
0x26: {  	[smem:$0x3F89] =	sst s1;
	(tag) =	ssettag s2;
	_ =	strace s9  }
0x27: {  	s1 =	sld [smem:$0x3F99]  }
0x28: {  	s2 =	sld [smem:$0x3F9A]  }
0x29: {  	s4 =	sld [smem:$0x3F9C]  }
0x2a: {  	p0 =	seq.s32 s5, $0x0;
	s5 =	sld [smem:$0x3F9D]  }
0x2b: {  	s6 =	sld [smem:$0x3F9E]  }
0x2c: {  	s7 =	sld [smem:$0x3F9F]  }
0x2d: {  	s3 =	simm.s32 $0x108;
	s8 =	sld [smem:$0x3FA0]  }
0x2e: {  	s3 =	simm.s32 @!p0 $0x1082;
	s9 =	sld [smem:$0x3FA1]  }
0x2f: {  	lr =	sadd.s32 s0, s3;
	s0 =	sld [smem:$0x3F98]  }
0x30: {  	s3 =	sld [smem:$0x3F9B]  }
0x31: {  	[smem:$0x3FA4] =	sst s10  }
0x32: {  	s10 =	sld [smem:$0x3FA2];
	_ =	sdelay $0x3  }
0x33: {  	p0 =	seq.s32 s10, $0x1;
	s10 =	sld [smem:$0x3FA4];
	_ =	sdelay $0x3  }
0x34: {  	[smem:$0x3FA4] =	sst s10  }
0x35: {  	s10 =	sld [smem:$0x3FA3];
	_ =	sdelay $0x3  }
0x36: {  	p1 =	seq.s32 s10, $0x1;
	s10 =	sld [smem:$0x3FA4];
	_ =	sdelay $0x3  }
0x37: {  	[smem:$0x3FA4] =	sst s10  }
0x38: {  	s10 =	sld [smem:$0x3FA5]  }
0x39: {  	_ = 	snop;
	(pc) =	sbr.ind lr, $3  }
0x3a: {  	_ = 	snop  }
0x3b: {  	_ = 	snop  }
0x3c: {  	p2 =	seq.s32 s10, $0x1;
	s10 =	sld [smem:$0x3FA4]  }
0x3d: {  	_ =	shalt  }
0x3e: {  	_ =	shalt  }
0x3f: {  	_ =	shalt  }
0x40: {  	_ =	shalt  }
0x41: {  	_ =	shalt  }
0x42: {  	_ =	shalt  }
0x43: {  	_ =	shalt  }
0x44: {  	_ =	shalt  }
0x45: {  	_ =	shalt  }
0x46: {  	_ =	shalt  }
0x47: {  	_ =	shalt  }
0x48: {  	_ =	shalt  }
0x49: {  	_ =	shalt  }
0x4a: {  	_ =	shalt  }
0x4b: {  	_ =	shalt  }
0x4c: {  	_ =	shalt  }
0x4d: {  	_ =	shalt  }
0x4e: {  	_ =	shalt  }
0x4f: {  	_ =	shalt  }
0x50: {  	_ =	shalt  }
0x51: {  	_ =	shalt  }
0x52: {  	_ =	shalt  }
0x53: {  	_ =	shalt  }
0x54: {  	_ =	shalt  }
0x55: {  	_ =	shalt  }
0x56: {  	_ =	shalt  }
0x57: {  	_ =	shalt  }
0x58: {  	_ =	shalt  }
0x59: {  	_ =	shalt  }
0x5a: {  	_ =	shalt  }
0x5b: {  	_ =	shalt  }
0x5c: {  	_ =	shalt  }
0x5d: {  	_ =	shalt  }
0x5e: {  	_ =	shalt  }
0x5f: {  	_ =	shalt  }
0x60: {  	_ =	shalt  }
0x61: {  	_ =	shalt  }
0x62: {  	_ =	shalt  }
0x63: {  	_ =	shalt  }
0x64: {  	_ =	shalt  }
0x65: {  	_ =	shalt  }
0x66: {  	_ =	shalt  }
0x67: {  	_ =	shalt  }
0x68: {  	_ =	shalt  }
0x69: {  	_ =	shalt  }
0x6a: {  	_ =	shalt  }
0x6b: {  	_ =	shalt  }
0x6c: {  	_ =	shalt  }
0x6d: {  	_ =	shalt  }
0x6e: {  	_ =	shalt  }
0x6f: {  	_ =	shalt  }
0x70: {  	_ =	shalt  }
0x71: {  	_ =	shalt  }
0x72: {  	_ =	shalt  }
0x73: {  	_ =	shalt  }
0x74: {  	_ =	shalt  }
0x75: {  	_ =	shalt  }
0x76: {  	_ =	shalt  }
0x77: {  	_ =	shalt  }
0x78: {  	_ =	shalt  }
0x79: {  	_ =	shalt  }
0x7a: {  	_ =	shalt  }
0x7b: {  	_ =	shalt  }
0x7c: {  	_ =	shalt  }
0x7d: {  	_ =	shalt  }
0x7e: {  	_ =	shalt  }
0x7f: {  	_ =	shalt  }
0x80: {  	_ =	shalt  }
0x81: {  	_ =	shalt  }
0x82: {  	_ =	shalt  }
0x83: {  	_ =	shalt  }
0x84: {  	_ =	shalt  }
0x85: {  	_ =	shalt  }
0x86: {  	_ =	shalt  }
0x87: {  	_ =	shalt  }
.Lfunc_end0:
.L_simem_size_0:
called_computation_lowered:
.L_overlay_start_0:
0x88: {  	s2 =	sld [smem:$0x3FD9]  }
0x89: {  	s3 =	sld [smem:$0x3FFE];
	_ =	sdelay $0x1  }
0x8a: {  	s1 =	srdreg.scid  }
0x8b: {  	s0 =	sand.u32 $0x1, s1  }
0x8c: {  	s17 =	sshll.u32 s0, $0xA;
	s2 =	sadd.s32 s3, s2  }
0x8d: {  	s2 =	sadd.s32 s2, s17  }
0x8e: {  	[smem:$0x3FB0] =	sst s2  }
0x8f: {  	_ = 	snop  }
0x90: {  	s18 =	sld [smem:$0x3FC9]  }
0x91: {  	s4 =	sld [smem:$0x3FC8]  }
0x92: {  	s5 =	sld [smem:$0x3FC7]  }
0x93: {  	s6 =	sld [smem:$0x3FC6]  }
0x94: {  	s7 =	sld [smem:$0x3FC3]  }
0x95: {  	s8 =	sld [smem:$0x3FC2]  }
0x96: {  	s9 =	sld [smem:$0x3FC1]  }
0x97: {  	s10 =	sld [smem:$0x3FC0];
	(tm) =	ssettm $0x1  }
0x98: {  	s19 =	sld [smem:$0x3FFB];
	_ =	sdelay $0x3  }
0x99: {  	_ =	strace s19  }
0x9a: {  	s2 =	sld [smem:$0x3FFC];
	_ =	sdelay $0x3  }
0x9b: {  	_ =	strace s2  }
0x9c: {  	s2 =	sld [smem:$0x3FFD];
	_ =	sdelay $0x3  }
0x9d: {  	_ =	strace s2  }
0x9e: {  	_ =	strace $0x8FFFFFFF  }
0x9f: {  	s20 =	sld [smem:$0x3FDB];
	_ =	sdelay $0x1  }
0xa0: {  	s11 =	simm.s32 $_scs_section_size  }
0xa1: {  	s12 =	simm.s32 $_size__tile_overlayer_lowered;
	s13 =	simm.s32 $_tile_overlayer_lowered  }
0xa2: {  	s14 =	simm.s32 $0x1BFF;
	s21 =	sshll.u32 s13, $0x1;
	s11 =	sadd.s32 s11, s20  }
0xa3: {  	s22 =	simm.s32 $0x0;
	s12 =	sshll.u32 s12, $0x1;
	s13 =	sadd.s32 s21, s11  }
0xa4: {  	[timem:s22], [sflag:s14] =	dma.local [hbm:s13], s12  }
0xa5: {  	_ =	swait.ge [sflag:s14], s12  }
0xa6: {  	s12 =	ssub.s32 $0x0, s12;
	[sflag:s14] =	ssyncset.done $0x0  }
0xa7: {  	[sflag:s14] =	ssyncadd.s32 s12;
	_ =	sdelay $0x1  }
0xa8: {  	s23 =	simm.s32 $0x1B8B  }
0xa9: {  	_ =	swait.ge [sflag:s23], $0x1  }
0xaa: {  	[sflag:s23] =	ssyncset.done $0x0  }
0xab: {  	[sflag:s23] =	ssyncadd.s32 $0xFFFFFFFF  }
0xac: {  	s12 =	sld [smem:$0x0]  }
0xad: {  	s13 =	sand.u32 $0xFFFFFFFE, s1  }
0xae: {  	p0 =	sne.s32 s1, s13  }
0xaf: {  	s13 =	sshll.u32 @p0 s13, $0xE  }
0xb0: {  	s13 =	sadd.s32 @p0 $0x11B8D, s13;
	s14 =	sshll.u32 @p0 s12, $0x11  }
0xb1: {  	s13 =	sor.u32 @p0 s14, s13  }
0xb2: {  	[sflag:s13] =	ssyncadd.remote.s32 @p0 $0x1;
	_ =	sdelay $0x1  }
0xb3: {  	s13 =	simm.s32 @p0 $0x1B8D  }
0xb4: {  	_ =	swait.eq @p0 [sflag:s13], $0x1  }
0xb5: {  	[sflag:s13] =	ssyncadd.s32 @p0 $0xFFFFFFFF  }
0xb6: {  	s14 =	sshll.u32 @!p0 s1, $0xE  }
0xb7: {  	s14 =	sor.u32 @!p0 $0x4000, s14;
	s13 =	simm.s32 @!p0 $0x1B8D  }
0xb8: {  	s12 =	sshll.u32 @!p0 s12, $0x11;
	s14 =	sadd.s32 @!p0 $0x11B8D, s14;
	_ =	swait.eq @!p0 [sflag:s13], $0x1  }
0xb9: {  	s12 =	sor.u32 @!p0 s12, s14;
	[sflag:s13] =	ssyncadd.s32 @!p0 $0xFFFFFFFF  }
0xba: {  	s25 =	simm.s32 $0x1B8E;
	s24 =	sld [smem:$0x3FFE];
	[sflag:s12] =	ssyncadd.remote.s32 @!p0 $0x1  }
0xbb: {  	s26 =	simm.s32 $execute0_lowered;
	[smem:$0x3FD2] =	sst s25  }
0xbc: {  	s13 =	sshll.u32 s26, $0x1;
	_ =	strace $0x80000049;
	[dreg:$0x1] =	wrdreg $0xFFFFFFFF  }
0xbd: {  	s28 =	simm.s32 $_size_execute0_lowered;
	s11 =	sadd.s32 s11, s13;
	[dreg:$0x0] =	wrdreg $0x0  }
0xbe: {  	s13 =	sshll.u32 s28, $0x1;
	[dreg:$0x2] =	wrdreg s11  }
0xbf: {  	[dreg:$0x3] =	wrdreg s13  }
0xc0: {  	[dreg:$0x4] =	wrdreg $0xC0  }
0xc1: {  	_ =	task [dreg:s22], $0x5FFFF  }
0xc2: {  	[dreg:$0x1] =	wrdreg $0xFFFFFFFF  }
0xc3: {  	[dreg:$0x0] =	wrdreg $0x60  }
0xc4: {  	[dreg:$0x2] =	wrdreg s18  }
0xc5: {  	[dreg:$0x3] =	wrdreg s4  }
0xc6: {  	[dreg:$0x4] =	wrdreg s5  }
0xc7: {  	[dreg:$0x5] =	wrdreg s6  }
0xc8: {  	[dreg:$0x6] =	wrdreg s7  }
0xc9: {  	[dreg:$0x7] =	wrdreg s8  }
0xca: {  	[dreg:$0x8] =	wrdreg s9  }
0xcb: {  	[dreg:$0x9] =	wrdreg s10  }
0xcc: {  	[dreg:$0xa] =	wrdreg s24  }
0xcd: {  	[dreg:$0xb] =	wrdreg $0x9  }
0xce: {  	_ =	task.clear_ibuf [dreg:s22], $0xCFFFF;
	_ =	strace $0x90000049  }
0xcf: {  	s29 =	simm.s32 $0x9;
	_ =	strace $0x8000004B  }
0xd0: {  	_ =	swait.ge [sflag:s29], $0x1  }
0xd1: {  	[sflag:s29] =	ssyncadd.s32 $0xFFFFFFFF  }
0xd2: {  	_ =	strace $0x9000004B  }
0xd3: {  	_ =	sfence  }
0xd4: {  	s30 =	sld [smem:$0x0];
	_ =	sdelay $0x2  }
0xd5: {  	s31 =	sshll.u32 s1, $0xD;
	s1 =	sshrl.u32 s1, $0x2  }
0xd6: {  	s4 =	sand.u32 $0x4000, s31;
	s1 =	sadd.s32 s1, s30  }
0xd7: {  	s0 =	sor.u32 s4, s0;
	s1 =	sshll.u32 s1, $0x11  }
0xd8: {  	s0 =	sor.u32 s1, s0  }
0xd9: {  	s0 =	sadd.s32 $0x8F2B, s0  }
0xda: {  	[sflag:s0] =	ssyncadd.remote.s32 $0x1  }
0xdb: {  	_ =	sfence.sel $0xFFFF  }
0xdc: {  	[dreg:$0x0] =	wrdreg $0xFFFFFFFF;
	(pc) =	sbr.abs _section_cstart, $3  }
0xdd: {  	[dreg:$0x1] =	wrdreg $0xFFFFFFFF  }
0xde: {  	_ =	task.clear_ibuf [dreg:s22], $0x2FFFF;
	_ =	strace $0x9FFFFFFF  }
0xdf: {  	(tm) =	ssettm $0x7FFFFFFF  }
tec
execute0_lowered:
.L_overlay_start_1:
0x0: {  	(tag) =	ssettag $0x1  }
0x1: {  	s0 =	rddreg [dreg:$0x0]  }
0x2: {  	s4 =	rddreg [dreg:$0x1]  }
0x3: {  	s7 =	rddreg [dreg:$0x2]  }
0x4: {  	s8 =	rddreg [dreg:$0x3]  }
0x5: {  	s1 =	rddreg [dreg:$0x4]  }
0x6: {  	s2 =	rddreg [dreg:$0x5]  }
0x7: {  	s3 =	rddreg [dreg:$0x6]  }
0x8: {  	s5 =	rddreg [dreg:$0x7]  }
0x9: {  	s9 =	rddreg [dreg:$0x8];
	s6 =	simm.s32 $0x0;
	s12 =	stileid.u32  }
0xa: {  	s10 =	srdreg.scid;
	s16 =	simm.s32 $0x40;
	s17 =	simm.s32 $0x800  }
0xb: {  	s18 =	simm.s32 $0x2800;
	s28 =	simm.s32 $0x3;
	s29 =	simm.s32 $0x4  }
0xc: {  	s30 =	simm.s32 $0x0;
	[smem:$0x7FF] =	sst s6;
	s11 =	sshll.u32 s12, $0xE  }
0xd: {  	s10 =	sand.u32 $0x1, s10;
	s12 =	sshll.u32 s12, $0xA;
	s9 =	sadd.s32 s11, s9  }
0xe: {  	s19 =	ssub.s32 $0x2, s10;
	s13 =	sshll.u32 s10, $0x9;
	s10 =	sshll.u32 s10, $0xD  }
0xf: {  	_ =	strace $0x8000004A;
	s14 =	sshrl.u32 s19, $0x1;
	s9 =	sadd.s32 s10, s9  }
0x10: {  	s12 =	sor.u32 s13, s12;
	s11 =	ssub.s32 s19, s14;
	s21 =	sadd.s32 $0x104400, s9  }
0x11: {  	s20 =	sshrl.u32 s12, $0x3;
	s22 =	sadd.s32 $0xC4400, s9;
	[dreg:$0xa] =	wrdreg s21  }
0x12: {  	s23 =	sadd.s32 $0x84400, s9;
	s25 =	sadd.s32 $0x44400, s9;
	[dreg:$0xb] =	wrdreg s22  }
0x13: {  	s12 =	simm.s32 $0x5;
	s19 =	simm.s32 $0x4800;
	[dreg:$0xc] =	wrdreg s23  }
0x14: {  	s0 =	sadd.s32 s0, s20;
	s4 =	sadd.s32 s4, s20;
	[dreg:$0xd] =	wrdreg s25  }
0x15: {  	s24 =	sadd.s32 s7, s20;
	s26 =	sadd.s32 s8, s20;
	[dreg:$0xe] =	wrdreg s0  }
0x16: {  	s31 =	smax.u32 s11, $0x1;
	s20 =	simm.s32 $0x6800;
	[dreg:$0xf] =	wrdreg s4  }
0x17: {  	s21 =	simm.s32 $0x1;
	s22 =	simm.s32 $0x8800;
	[dreg:$0x10] =	wrdreg s24  }
0x18: {  	s23 =	simm.s32 $0xA800;
	s25 =	simm.s32 $0xE800;
	[dreg:$0x11] =	wrdreg s26  }
0x19: {  	[dreg:$0x12] =	wrdreg s31;
	s24 =	simm.s32 $0xC800;
	s26 =	simm.s32 $0x2  }
.LBB2_1:
0x1a: {  	s0 =	rddreg [dreg:$0xe]  }
0x1b: {  	[tilespmem:s6], [sflag:$0x5] =	stream.linear.gather [hbm4b:s0+s6], $0x200, $0x38;
	[tilespmem:$0x10800] =	vst v63  }
0x1c: {  	_ =	swait.ge [sflag:s12], $0x200  }
0x1d: {  	[sflag:s12] =	ssyncset.done $0x0  }
0x1e: {  	s4 =	simm.s32 $0x200;
	s10 =	rddreg [dreg:$0xf];
	[sflag:s12] =	ssyncadd.s32 $0xFFFFFE00  }
0x1f: {  	[tilespmem:s4], [sflag:$0x5] =	stream.linear.gather [hbm4b:s10+s6], $0x200, $0x38;
	[tilespmem:$0x10800] =	vst v63  }
0x20: {  	_ =	swait.ge [sflag:s12], $0x200  }
0x21: {  	[sflag:s12] =	ssyncset.done $0x0  }
0x22: {  	s7 =	simm.s32 $0x400;
	s11 =	rddreg [dreg:$0x10];
	[sflag:s12] =	ssyncadd.s32 $0xFFFFFE00  }
0x23: {  	[tilespmem:s7], [sflag:$0x5] =	stream.linear.gather [hbm4b:s11+s6], $0x200, $0x38;
	[tilespmem:$0x10800] =	vst v63  }
0x24: {  	_ =	swait.ge [sflag:s12], $0x200  }
0x25: {  	[sflag:s12] =	ssyncset.done $0x0  }
0x26: {  	s8 =	simm.s32 $0x600;
	s13 =	rddreg [dreg:$0x11];
	[sflag:s12] =	ssyncadd.s32 $0xFFFFFE00  }
0x27: {  	[tilespmem:s8], [sflag:$0x5] =	stream.linear.gather [hbm4b:s13+s6], $0x200, $0x38;
	[tilespmem:$0x10800] =	vst v63  }
0x28: {  	_ =	swait.ge [sflag:s12], $0x200  }
0x29: {  	[sflag:s12] =	ssyncset.done $0x0  }
0x2a: {  	[sflag:s12] =	ssyncadd.s32 $0xFFFFFE00  }
0x2b: {  	[tilespmem:s17], [sflag:$0x1] =	stream.indirect.gather [hbm4b:s1+s16], $0x80, s6, s16, $0xb8;
	[tilespmem:$0x10800] =	vst v63  }
0x2c: {  	_ = 	snop  }
0x2d: {  	[tilespmem:s18], [sflag:$0x1] =	stream.indirect.gather [hbm4b:s2+s16], $0x80, s4, s16, $0xb8;
	[tilespmem:$0x10800] =	vst v63  }
0x2e: {  	_ = 	snop  }
0x2f: {  	[tilespmem:s19], [sflag:$0x1] =	stream.indirect.gather [hbm4b:s3+s16], $0x80, s7, s16, $0xb8;
	[tilespmem:$0x10800] =	vst v63  }
0x30: {  	_ = 	snop  }
0x31: {  	[tilespmem:s20], [sflag:$0x1] =	stream.indirect.gather [hbm4b:s5+s16], $0x80, s8, s16, $0xb8;
	[tilespmem:$0x10800] =	vst v63  }
0x32: {  	_ =	swait.ge [sflag:s21], $0x2000  }
0x33: {  	[sflag:s21] =	ssyncset.done $0x0  }
0x34: {  	[sflag:s21] =	ssyncadd.s32 $0xFFFFE000  }
0x35: {  	_ =	swait.ge [sflag:s21], $0x2000  }
0x36: {  	[sflag:s21] =	ssyncset.done $0x0  }
0x37: {  	[sflag:s21] =	ssyncadd.s32 $0xFFFFE000  }
0x38: {  	_ =	swait.ge [sflag:s21], $0x2000  }
0x39: {  	[sflag:s21] =	ssyncset.done $0x0  }
0x3a: {  	[sflag:s21] =	ssyncadd.s32 $0xFFFFE000  }
0x3b: {  	_ =	swait.ge [sflag:s21], $0x2000  }
0x3c: {  	p0 =	por $0x1, $0x1;
	[sflag:s21] =	ssyncset.done $0x0  }
0x3d: {  	s0 =	simm.s32 @!p0 $0x4;
	[sflag:s21] =	ssyncadd.s32 $0xFFFFE000  }
0x3e: {  	_ =	swait.ge @!p0 [sflag:s0], $0x2000  }
0x3f: {  	[sflag:s0] =	ssyncset.done @!p0 $0x0  }
0x40: {  	[sflag:s0] =	ssyncadd.s32 @!p0 $0xFFFFE000  }
0x41: {  	_ =	swait.ge @!p0 [sflag:s0], $0x2000  }
0x42: {  	[sflag:s0] =	ssyncset.done @!p0 $0x0  }
0x43: {  	[sflag:s0] =	ssyncadd.s32 @!p0 $0xFFFFE000  }
0x44: {  	_ =	swait.ge @!p0 [sflag:s0], $0x2000  }
0x45: {  	[sflag:s0] =	ssyncset.done @!p0 $0x0  }
0x46: {  	[sflag:s0] =	ssyncadd.s32 @!p0 $0xFFFFE000  }
0x47: {  	_ =	swait.ge @!p0 [sflag:s0], $0x2000  }
0x48: {  	[sflag:s0] =	ssyncset.done @!p0 $0x0  }
0x49: {  	s14 =	simm.s32 $0x40;
	[sflag:s0] =	ssyncadd.s32 @!p0 $0xFFFFE000  }
0x4a: {  	[tilespmem:s22], [sflag:$0x2] =	stream.indirect.gather [hbm4b:s1+s16], $0x80, s14, s16, $0xb8;
	[tilespmem:$0x10800] =	vst v63  }
0x4b: {  	s15 =	simm.s32 $0x240  }
0x4c: {  	[tilespmem:s23], [sflag:$0x2] =	stream.indirect.gather [hbm4b:s2+s16], $0x80, s15, s16, $0xb8;
	[tilespmem:$0x10800] =	vst v63  }
0x4d: {  	s4 =	simm.s32 $0x440  }
0x4e: {  	[tilespmem:s24], [sflag:$0x2] =	stream.indirect.gather [hbm4b:s3+s16], $0x80, s4, s16, $0xb8;
	[tilespmem:$0x10800] =	vst v63  }
0x4f: {  	s8 =	simm.s32 $0x640;
	s7 =	rddreg [dreg:$0xd]  }
0x50: {  	[tilespmem:s25], [sflag:$0x2] =	stream.indirect.gather [hbm4b:s5+s16], $0x80, s8, s16, $0xb8;
	[tilespmem:$0x10800] =	vst v63  }
0x51: {  	s9 =	rddreg [dreg:$0xc];
	s10 =	sadd.s32 $0x0, s7  }
0x52: {  	[hbm4b:s10+s6] =	stream.linear.scatter [tilespmem:s17], [sflag:$0x3], $0x2000, $0x38;
	[tilespmem:$0x10800] =	vst v63  }
0x53: {  	s11 =	rddreg [dreg:$0xb];
	s7 =	sadd.s32 $0x0, s9  }
0x54: {  	[hbm4b:s7+s6] =	stream.linear.scatter [tilespmem:s18], [sflag:$0x3], $0x2000, $0x38;
	[tilespmem:$0x10800] =	vst v63  }
0x55: {  	s13 =	rddreg [dreg:$0xa];
	s4 =	sadd.s32 $0x0, s11  }
0x56: {  	[hbm4b:s4+s6] =	stream.linear.scatter [tilespmem:s19], [sflag:$0x3], $0x2000, $0x38;
	[tilespmem:$0x10800] =	vst v63  }
0x57: {  	s8 =	sadd.s32 $0x0, s13  }
0x58: {  	[hbm4b:s8+s6] =	stream.linear.scatter [tilespmem:s20], [sflag:$0x3], $0x2000, $0x38;
	[tilespmem:$0x10800] =	vst v63  }
0x59: {  	_ =	swait.ge [sflag:s26], $0x2000  }
0x5a: {  	[sflag:s26] =	ssyncset.done $0x0  }
0x5b: {  	[sflag:s26] =	ssyncadd.s32 $0xFFFFE000  }
0x5c: {  	_ =	swait.ge [sflag:s26], $0x2000  }
0x5d: {  	[sflag:s26] =	ssyncset.done $0x0  }
0x5e: {  	[sflag:s26] =	ssyncadd.s32 $0xFFFFE000  }
0x5f: {  	_ =	swait.ge [sflag:s26], $0x2000  }
0x60: {  	[sflag:s26] =	ssyncset.done $0x0  }
0x61: {  	[sflag:s26] =	ssyncadd.s32 $0xFFFFE000  }
0x62: {  	_ =	swait.ge [sflag:s26], $0x2000  }
0x63: {  	[sflag:s26] =	ssyncset.done $0x0  }
0x64: {  	[sflag:s26] =	ssyncadd.s32 $0xFFFFE000  }
0x65: {  	_ =	swait.ge [sflag:s28], $0x2000  }
0x66: {  	[sflag:s28] =	ssyncset.done $0x0  }
0x67: {  	[sflag:s28] =	ssyncadd.s32 $0xFFFFE000  }
0x68: {  	_ =	swait.ge [sflag:s28], $0x2000  }
0x69: {  	[sflag:s28] =	ssyncset.done $0x0  }
0x6a: {  	[sflag:s28] =	ssyncadd.s32 $0xFFFFE000  }
0x6b: {  	_ =	swait.ge [sflag:s28], $0x2000  }
0x6c: {  	[sflag:s28] =	ssyncset.done $0x0  }
0x6d: {  	[sflag:s28] =	ssyncadd.s32 $0xFFFFE000  }
0x6e: {  	p0 =	por $0x0, $0x0;
	_ =	swait.ge [sflag:s28], $0x2000  }
0x6f: {  	s9 =	simm.s32 @!p0 $0x800;
	[sflag:s28] =	ssyncset.done $0x0  }
0x70: {  	s31 =	simm.s32 @!p0 $0x40;
	s13 =	simm.s32 @!p0 $0x80;
	[sflag:s28] =	ssyncadd.s32 $0xFFFFE000  }
0x71: {  	[tilespmem:s9], [sflag:$0x1] =	stream.indirect.gather @!p0 [hbm4b:s1+s31], $0x80, s13, s31, $0xb8;
	[tilespmem:$0x10800] =	vst v63  }
0x72: {  	s9 =	simm.s32 @!p0 $0x280;
	s13 =	simm.s32 @!p0 $0x2800  }
0x73: {  	[tilespmem:s13], [sflag:$0x1] =	stream.indirect.gather @!p0 [hbm4b:s2+s31], $0x80, s9, s31, $0xb8;
	[tilespmem:$0x10800] =	vst v63  }
0x74: {  	s9 =	simm.s32 @!p0 $0x480;
	s13 =	simm.s32 @!p0 $0x4800  }
0x75: {  	[tilespmem:s13], [sflag:$0x1] =	stream.indirect.gather @!p0 [hbm4b:s3+s31], $0x80, s9, s31, $0xb8;
	[tilespmem:$0x10800] =	vst v63  }
0x76: {  	s9 =	simm.s32 @!p0 $0x680;
	s13 =	simm.s32 @!p0 $0x6800  }
0x77: {  	[tilespmem:s13], [sflag:$0x1] =	stream.indirect.gather @!p0 [hbm4b:s5+s31], $0x80, s9, s31, $0xb8;
	[tilespmem:$0x10800] =	vst v63  }
0x78: {  	s0 =	sadd.s32 $0x400, s10  }
0x79: {  	[hbm4b:s0+s6] =	stream.linear.scatter [tilespmem:s22], [sflag:$0x4], $0x2000, $0x38;
	[tilespmem:$0x10800] =	vst v63  }
0x7a: {  	s14 =	sadd.s32 $0x400, s7;
	s15 =	sadd.s32 $0x400, s4  }
0x7b: {  	[hbm4b:s14+s6] =	stream.linear.scatter [tilespmem:s23], [sflag:$0x4], $0x2000, $0x38;
	[tilespmem:$0x10800] =	vst v63  }
0x7c: {  	s4 =	sadd.s32 $0x400, s8;
	s31 =	simm.s32 $0x800;
	s0 =	simm.s32 $0x200  }
0x7d: {  	[hbm4b:s15+s6] =	stream.linear.scatter [tilespmem:s24], [sflag:$0x4], $0x2000, $0x38;
	[tilespmem:$0x10800] =	vst v63  }
.LBB2_2:
0x7e: {  	[hbm4b:s4+s6] =	stream.linear.scatter [tilespmem:s25], [sflag:$0x4], $0x2000, $0x38;
	[tilespmem:$0x10800] =	vst v63  }
0x7f: {  	_ =	swait.ge [sflag:s21], $0x2000  }
0x80: {  	[sflag:s21] =	ssyncset.done $0x0  }
0x81: {  	[sflag:s21] =	ssyncadd.s32 $0xFFFFE000  }
0x82: {  	_ =	swait.ge [sflag:s21], $0x2000  }
0x83: {  	[sflag:s21] =	ssyncset.done $0x0  }
0x84: {  	[sflag:s21] =	ssyncadd.s32 $0xFFFFE000  }
0x85: {  	_ =	swait.ge [sflag:s21], $0x2000  }
0x86: {  	[sflag:s21] =	ssyncset.done $0x0  }
0x87: {  	[sflag:s21] =	ssyncadd.s32 $0xFFFFE000  }
0x88: {  	s4 =	smov.u32 s31;
	_ =	swait.ge [sflag:s21], $0x2000  }
0x89: {  	p1 =	seq.s32 s4, $0x0;
	[sflag:s21] =	ssyncset.done $0x0  }
0x8a: {  	s7 =	simm.s32 @!p1 $0x4;
	[sflag:s21] =	ssyncadd.s32 $0xFFFFE000  }
0x8b: {  	_ =	swait.ge @!p1 [sflag:s7], $0x2000  }
0x8c: {  	[sflag:s7] =	ssyncset.done @!p1 $0x0  }
0x8d: {  	[sflag:s7] =	ssyncadd.s32 @!p1 $0xFFFFE000  }
0x8e: {  	_ =	swait.ge @!p1 [sflag:s7], $0x2000  }
0x8f: {  	[sflag:s7] =	ssyncset.done @!p1 $0x0  }
0x90: {  	[sflag:s7] =	ssyncadd.s32 @!p1 $0xFFFFE000  }
0x91: {  	_ =	swait.ge @!p1 [sflag:s7], $0x2000  }
0x92: {  	[sflag:s7] =	ssyncset.done @!p1 $0x0  }
0x93: {  	[sflag:s7] =	ssyncadd.s32 @!p1 $0xFFFFE000  }
0x94: {  	_ =	swait.ge @!p1 [sflag:s7], $0x2000  }
0x95: {  	s8 =	sshra.s32 s0, $0x2;
	[sflag:s7] =	ssyncset.done @!p1 $0x0  }
0x96: {  	s10 =	sadd.s32 $0x40, s8;
	[sflag:s7] =	ssyncadd.s32 @!p1 $0xFFFFE000  }
0x97: {  	[tilespmem:s22], [sflag:$0x2] =	stream.indirect.gather [hbm4b:s1+s16], $0x80, s10, s16, $0xb8;
	[tilespmem:$0x10800] =	vst v63  }
0x98: {  	s11 =	sadd.s32 $0x240, s8  }
0x99: {  	[tilespmem:s23], [sflag:$0x2] =	stream.indirect.gather [hbm4b:s2+s16], $0x80, s11, s16, $0xb8;
	[tilespmem:$0x10800] =	vst v63  }
0x9a: {  	s13 =	sadd.s32 $0x440, s8  }
0x9b: {  	[tilespmem:s24], [sflag:$0x2] =	stream.indirect.gather [hbm4b:s3+s16], $0x80, s13, s16, $0xb8;
	[tilespmem:$0x10800] =	vst v63  }
0x9c: {  	s14 =	sadd.s32 $0x640, s8;
	s9 =	rddreg [dreg:$0xd]  }
0x9d: {  	[tilespmem:s25], [sflag:$0x2] =	stream.indirect.gather [hbm4b:s5+s16], $0x80, s14, s16, $0xb8;
	[tilespmem:$0x10800] =	vst v63  }
0x9e: {  	s15 =	rddreg [dreg:$0xc];
	s7 =	sadd.s32 s4, s9  }
0x9f: {  	[hbm4b:s7+s6] =	stream.linear.scatter [tilespmem:s17], [sflag:$0x3], $0x2000, $0x38;
	[tilespmem:$0x10800] =	vst v63  }
0xa0: {  	s8 =	sadd.s32 s4, s15;
	s10 =	rddreg [dreg:$0xb]  }
0xa1: {  	[hbm4b:s8+s6] =	stream.linear.scatter [tilespmem:s18], [sflag:$0x3], $0x2000, $0x38;
	[tilespmem:$0x10800] =	vst v63  }
0xa2: {  	s9 =	sadd.s32 s4, s10;
	s13 =	rddreg [dreg:$0xa]  }
0xa3: {  	[hbm4b:s9+s6] =	stream.linear.scatter [tilespmem:s19], [sflag:$0x3], $0x2000, $0x38;
	[tilespmem:$0x10800] =	vst v63  }
0xa4: {  	s13 =	sadd.s32 s4, s13  }
0xa5: {  	[hbm4b:s13+s6] =	stream.linear.scatter [tilespmem:s20], [sflag:$0x3], $0x2000, $0x38;
	[tilespmem:$0x10800] =	vst v63  }
0xa6: {  	_ =	swait.ge [sflag:s26], $0x2000  }
0xa7: {  	[sflag:s26] =	ssyncset.done $0x0  }
0xa8: {  	[sflag:s26] =	ssyncadd.s32 $0xFFFFE000  }
0xa9: {  	_ =	swait.ge [sflag:s26], $0x2000  }
0xaa: {  	[sflag:s26] =	ssyncset.done $0x0  }
0xab: {  	[sflag:s26] =	ssyncadd.s32 $0xFFFFE000  }
0xac: {  	_ =	swait.ge [sflag:s26], $0x2000  }
0xad: {  	[sflag:s26] =	ssyncset.done $0x0  }
0xae: {  	[sflag:s26] =	ssyncadd.s32 $0xFFFFE000  }
0xaf: {  	_ =	swait.ge [sflag:s26], $0x2000  }
0xb0: {  	[sflag:s26] =	ssyncset.done $0x0  }
0xb1: {  	[sflag:s26] =	ssyncadd.s32 $0xFFFFE000  }
0xb2: {  	_ =	swait.ge [sflag:s28], $0x2000  }
0xb3: {  	[sflag:s28] =	ssyncset.done $0x0  }
0xb4: {  	[sflag:s28] =	ssyncadd.s32 $0xFFFFE000  }
0xb5: {  	_ =	swait.ge [sflag:s28], $0x2000  }
0xb6: {  	[sflag:s28] =	ssyncset.done $0x0  }
0xb7: {  	[sflag:s28] =	ssyncadd.s32 $0xFFFFE000  }
0xb8: {  	_ =	swait.ge [sflag:s28], $0x2000  }
0xb9: {  	[sflag:s28] =	ssyncset.done $0x0  }
0xba: {  	[sflag:s28] =	ssyncadd.s32 $0xFFFFE000  }
0xbb: {  	p1 =	seq.s32 s4, $0x1800;
	_ =	swait.ge [sflag:s28], $0x2000  }
0xbc: {  	s15 =	simm.s32 @!p1 $0x40;
	s4 =	sshra.s32 @!p1 s0, $0x2;
	[sflag:s28] =	ssyncset.done $0x0  }
0xbd: {  	s14 =	simm.s32 @!p1 $0x800;
	s10 =	sadd.s32 @!p1 $0x80, s4;
	[sflag:s28] =	ssyncadd.s32 $0xFFFFE000  }
0xbe: {  	[tilespmem:s14], [sflag:$0x1] =	stream.indirect.gather @!p1 [hbm4b:s1+s15], $0x80, s10, s15, $0xb8;
	[tilespmem:$0x10800] =	vst v63  }
0xbf: {  	s10 =	sadd.s32 @!p1 $0x280, s4;
	s14 =	simm.s32 @!p1 $0x2800  }
0xc0: {  	[tilespmem:s14], [sflag:$0x1] =	stream.indirect.gather @!p1 [hbm4b:s2+s15], $0x80, s10, s15, $0xb8;
	[tilespmem:$0x10800] =	vst v63  }
0xc1: {  	s11 =	sadd.s32 @!p1 $0x480, s4;
	s10 =	simm.s32 @!p1 $0x4800  }
0xc2: {  	[tilespmem:s10], [sflag:$0x1] =	stream.indirect.gather @!p1 [hbm4b:s3+s15], $0x80, s11, s15, $0xb8;
	[tilespmem:$0x10800] =	vst v63  }
0xc3: {  	s31 =	sadd.s32 $0x800, s31;
	s4 =	sadd.s32 @!p1 $0x680, s4;
	s10 =	simm.s32 @!p1 $0x6800  }
0xc4: {  	[tilespmem:s10], [sflag:$0x1] =	stream.indirect.gather @!p1 [hbm4b:s5+s15], $0x80, s4, s15, $0xb8;
	[tilespmem:$0x10800] =	vst v63  }
0xc5: {  	p0 =	sne.s32 s31, $0x2000;
	s11 =	sadd.s32 $0x400, s7  }
0xc6: {  	[hbm4b:s11+s6] =	stream.linear.scatter [tilespmem:s22], [sflag:$0x4], $0x2000, $0x38;
	[tilespmem:$0x10800] =	vst v63  }
.Ltmp0:
0xc7: {  	_ = 	snop;
	(pc) =	sbr.rel @p0 .LBB2_2-.Ltmp0, $4  }
0xc8: {  	s14 =	sadd.s32 $0x400, s8  }
0xc9: {  	[hbm4b:s14+s6] =	stream.linear.scatter [tilespmem:s23], [sflag:$0x4], $0x2000, $0x38;
	[tilespmem:$0x10800] =	vst v63  }
0xca: {  	s0 =	sadd.s32 $0x200, s0;
	s15 =	sadd.s32 $0x400, s9;
	s4 =	sadd.s32 $0x400, s13  }
0xcb: {  	[hbm4b:s15+s6] =	stream.linear.scatter [tilespmem:s24], [sflag:$0x4], $0x2000, $0x38;
	[tilespmem:$0x10800] =	vst v63  }
0xcc: {  	[hbm4b:s4+s6] =	stream.linear.scatter [tilespmem:s25], [sflag:$0x4], $0x2000, $0x38;
	[tilespmem:$0x10800] =	vst v63  }
0xcd: {  	_ =	swait.ge [sflag:s29], $0x2000  }
0xce: {  	[sflag:s29] =	ssyncset.done $0x0  }
0xcf: {  	[sflag:s29] =	ssyncadd.s32 $0xFFFFE000  }
0xd0: {  	_ =	swait.ge [sflag:s29], $0x2000  }
0xd1: {  	[sflag:s29] =	ssyncset.done $0x0  }
0xd2: {  	[sflag:s29] =	ssyncadd.s32 $0xFFFFE000  }
0xd3: {  	_ =	swait.ge [sflag:s29], $0x2000  }
0xd4: {  	[sflag:s29] =	ssyncset.done $0x0  }
0xd5: {  	[sflag:s29] =	ssyncadd.s32 $0xFFFFE000  }
0xd6: {  	_ =	swait.ge [sflag:s29], $0x2000  }
0xd7: {  	s30 =	sadd.s32 $0x1, s30;
	s0 =	rddreg [dreg:$0x12]  }
0xd8: {  	p0 =	sne.s32 s30, s0  }
.Ltmp1:
0xd9: {  	_ = 	snop;
	(pc) =	sbr.rel @p0 .LBB2_1-.Ltmp1, $3  }
0xda: {  	_ =	sdelay $0x1  }
0xdb: {  	[sflag:s29] =	ssyncset.done $0x0  }
0xdc: {  	[sflag:s29] =	ssyncadd.s32 $0xFFFFE000  }
0xdd: {  	_ =	sfence.sel $0x180000  }
0xde: {  	[bflag:$0x0] =	sbarrier.arrive $0xFFFF  }
0xdf: {  	_ =	strace $0x9000004A  }
0xe0: {  	s0 =	stileid.u32;
	[bflag:$0x2] =	sbarrier.arrive $0xFFFF  }
0xe1: {  	p0 =	sne.s32 s0, $0x0;
	s0 =	rddreg [dreg:$0x9]  }
0xe2: {  	s0 =	sadd.s32 @!p0 $0x100000, s0  }
0xe3: {  	[sflag:s0] =	ssyncadd.tile.s32 @!p0 $0x1;
	_ =	shalt  }
.Lfunc_end2:
_tile_overlayer_lowered:
.L_overlay_start_2:
0xe4: {  	(tag) =	ssettag $0x2  }
0xe5: {  	s0 =	rddreg [dreg:$0x0];
	s2 =	stileid.u32  }
0xe6: {  	s1 =	rddreg [dreg:$0x1];
	p0 =	sne.s32 s2, $0x0  }
0xe7: {  	s3 =	rddreg [dreg:$0x2];
	[bflag:$0x3] =	sbarrier.arrive $0xFFFF;
	s2 =	simm.s32 @!p0 $0x1C05  }
0xe8: {  	[timem:s3], [sflag:s2] =	dma.local @!p0 [hbm:s0], s1  }
0xe9: {  	s0 =	simm.s32 @!p0 $0x5  }
0xea: {  	_ =	swait.ge @!p0 [sflag:s0], s1  }
0xeb: {  	s1 =	ssub.s32 @!p0 $0x0, s1;
	[sflag:s0] =	ssyncset.done @!p0 $0x0  }
0xec: {  	[sflag:s0] =	ssyncadd.s32 @!p0 s1  }
0xed: {  	[bflag:$0x3] =	sbarrier.arrive $0xFFFF  }
0xee: {  	_ =	shalt  }

// kernel: kernel.8.cloned.1.call-start
scs
__scs_entry_jumppad:
0x0: {  	(pc) =	sbr.rel $0x88, $3  }
0x1: {  	(tag) =	ssettag $0x0;
	lr =	simm.s32 $0x1  }
0x2: {  	[smem:$0x3F89] =	sst lr;
	_ =	strace $0xD0000000  }
0x3: {  	_ = 	snop  }
0x4: {  	_ = 	snop  }
0x5: {  	_ = 	snop  }
0x6: {  	_ = 	snop  }
0x7: {  	_ = 	snop  }
__scs_overlays_trampoline_lowered:
0x8: {  	[smem:$0x3F98] =	sst s0  }
0x9: {  	[smem:$0x3F99] =	sst s1  }
0xa: {  	[smem:$0x3F9A] =	sst s2  }
0xb: {  	[smem:$0x3F9B] =	sst s3  }
0xc: {  	[smem:$0x3F9C] =	sst s4  }
0xd: {  	[smem:$0x3F9D] =	sst s5  }
0xe: {  	[smem:$0x3F9E] =	sst s6  }
0xf: {  	[smem:$0x3F9F] =	sst s7  }
0x10: {  	[smem:$0x3FA0] =	sst s8  }
0x11: {  	[smem:$0x3FA1] =	sst s9;
	s0 =	simm.s32 @!p0 $0x0  }
0x12: {  	s1 =	sld [smem:$0x3F87];
	s0 =	simm.s32 @p0 $0x1  }
0x13: {  	[smem:$0x3FA2] =	sst s0;
	s0 =	simm.s32 @!p1 $0x0  }
0x14: {  	s2 =	sld [smem:$0x3F86];
	s0 =	simm.s32 @p1 $0x1  }
0x15: {  	[smem:$0x3FA3] =	sst s0;
	s0 =	simm.s32 @!p2 $0x0  }
0x16: {  	s3 =	sld [smem:$0x3FDB];
	s0 =	simm.s32 @p2 $0x1  }
0x17: {  	s4 =	simm.s32 $0x1BF5;
	[smem:$0x3FA5] =	sst s0  }
0x18: {  	s0 =	sld [smem:$0x3F88];
	_ =	swait.ge [sflag:s4], $0x0  }
0x19: {  	s7 =	sld [smem:$0x3F89]  }
0x1a: {  	s8 =	sadd.s32 $0xFFFFE003, lr  }
0x1b: {  	s9 =	sadd.s32 $0xFFFFFEF7, lr;
	s5 =	simm.s32 $0xFFFFFFFF;
	p2 =	slt.u32 s8, $0xFFFFF086  }
0x1c: {  	p1 =	slt.u32 s9, $0xF7A;
	s5 =	simm.s32 @!p2 $0x0  }
0x1d: {  	s5 =	simm.s32 @p1 $0x1;
	p0 =	seq.s32 s7, s2  }
0x1e: {  	s7 =	smul.u32 @!p0 $0xF7A, s2;
	p2 =	seq.s32 @!p0 s5, $0x0  }
0x1f: {  	s9 =	smul.u32 $0xF7A, s1;
	s8 =	simm.s32 @!p0 $0x1BF5;
	p2 =	por !p2, p0  }
0x20: {  	[sflag:s8] =	ssyncset.s32 @!p0 $0xFFFFF086;
	s6 =	sadd.s32 @!p0 s3, s7;
	s7 =	simm.s32 @!p0 $0x108  }
0x21: {  	s3 =	sadd.s32 s3, s9;
	s6 =	sadd.s32 @!p0 $0x88, s6;
	s7 =	simm.s32 @p2 $0x1082  }
0x22: {  	[simem:s7], [sflag:s8] =	dma.local @!p0 [hbm:s6], $0xF7A  }
0x23: {  	s9 =	sor.u32 $0xD0000000, s2;
	s6 =	simm.s32 $0x108;
	_ =	swait.ge @!p0 [sflag:s8], $0x0  }
0x24: {  	s3 =	sadd.s32 $0x88, s3;
	s6 =	simm.s32 @!p1 $0x1082;
	[sflag:s4] =	ssyncset.s32 $0xFFFFF086  }
0x25: {  	[simem:s6], [sflag:s4] =	dma.local [hbm:s3], $0xF7A  }
0x26: {  	[smem:$0x3F89] =	sst s1;
	(tag) =	ssettag s2;
	_ =	strace s9  }
0x27: {  	s1 =	sld [smem:$0x3F99]  }
0x28: {  	s2 =	sld [smem:$0x3F9A]  }
0x29: {  	s4 =	sld [smem:$0x3F9C]  }
0x2a: {  	p0 =	seq.s32 s5, $0x0;
	s5 =	sld [smem:$0x3F9D]  }
0x2b: {  	s6 =	sld [smem:$0x3F9E]  }
0x2c: {  	s7 =	sld [smem:$0x3F9F]  }
0x2d: {  	s3 =	simm.s32 $0x108;
	s8 =	sld [smem:$0x3FA0]  }
0x2e: {  	s3 =	simm.s32 @!p0 $0x1082;
	s9 =	sld [smem:$0x3FA1]  }
0x2f: {  	lr =	sadd.s32 s0, s3;
	s0 =	sld [smem:$0x3F98]  }
0x30: {  	s3 =	sld [smem:$0x3F9B]  }
0x31: {  	[smem:$0x3FA4] =	sst s10  }
0x32: {  	s10 =	sld [smem:$0x3FA2];
	_ =	sdelay $0x3  }
0x33: {  	p0 =	seq.s32 s10, $0x1;
	s10 =	sld [smem:$0x3FA4];
	_ =	sdelay $0x3  }
0x34: {  	[smem:$0x3FA4] =	sst s10  }
0x35: {  	s10 =	sld [smem:$0x3FA3];
	_ =	sdelay $0x3  }
0x36: {  	p1 =	seq.s32 s10, $0x1;
	s10 =	sld [smem:$0x3FA4];
	_ =	sdelay $0x3  }
0x37: {  	[smem:$0x3FA4] =	sst s10  }
0x38: {  	s10 =	sld [smem:$0x3FA5]  }
0x39: {  	_ = 	snop;
	(pc) =	sbr.ind lr, $3  }
0x3a: {  	_ = 	snop  }
0x3b: {  	_ = 	snop  }
0x3c: {  	p2 =	seq.s32 s10, $0x1;
	s10 =	sld [smem:$0x3FA4]  }
0x3d: {  	_ =	shalt  }
0x3e: {  	_ =	shalt  }
0x3f: {  	_ =	shalt  }
0x40: {  	_ =	shalt  }
0x41: {  	_ =	shalt  }
0x42: {  	_ =	shalt  }
0x43: {  	_ =	shalt  }
0x44: {  	_ =	shalt  }
0x45: {  	_ =	shalt  }
0x46: {  	_ =	shalt  }
0x47: {  	_ =	shalt  }
0x48: {  	_ =	shalt  }
0x49: {  	_ =	shalt  }
0x4a: {  	_ =	shalt  }
0x4b: {  	_ =	shalt  }
0x4c: {  	_ =	shalt  }
0x4d: {  	_ =	shalt  }
0x4e: {  	_ =	shalt  }
0x4f: {  	_ =	shalt  }
0x50: {  	_ =	shalt  }
0x51: {  	_ =	shalt  }
0x52: {  	_ =	shalt  }
0x53: {  	_ =	shalt  }
0x54: {  	_ =	shalt  }
0x55: {  	_ =	shalt  }
0x56: {  	_ =	shalt  }
0x57: {  	_ =	shalt  }
0x58: {  	_ =	shalt  }
0x59: {  	_ =	shalt  }
0x5a: {  	_ =	shalt  }
0x5b: {  	_ =	shalt  }
0x5c: {  	_ =	shalt  }
0x5d: {  	_ =	shalt  }
0x5e: {  	_ =	shalt  }
0x5f: {  	_ =	shalt  }
0x60: {  	_ =	shalt  }
0x61: {  	_ =	shalt  }
0x62: {  	_ =	shalt  }
0x63: {  	_ =	shalt  }
0x64: {  	_ =	shalt  }
0x65: {  	_ =	shalt  }
0x66: {  	_ =	shalt  }
0x67: {  	_ =	shalt  }
0x68: {  	_ =	shalt  }
0x69: {  	_ =	shalt  }
0x6a: {  	_ =	shalt  }
0x6b: {  	_ =	shalt  }
0x6c: {  	_ =	shalt  }
0x6d: {  	_ =	shalt  }
0x6e: {  	_ =	shalt  }
0x6f: {  	_ =	shalt  }
0x70: {  	_ =	shalt  }
0x71: {  	_ =	shalt  }
0x72: {  	_ =	shalt  }
0x73: {  	_ =	shalt  }
0x74: {  	_ =	shalt  }
0x75: {  	_ =	shalt  }
0x76: {  	_ =	shalt  }
0x77: {  	_ =	shalt  }
0x78: {  	_ =	shalt  }
0x79: {  	_ =	shalt  }
0x7a: {  	_ =	shalt  }
0x7b: {  	_ =	shalt  }
0x7c: {  	_ =	shalt  }
0x7d: {  	_ =	shalt  }
0x7e: {  	_ =	shalt  }
0x7f: {  	_ =	shalt  }
0x80: {  	_ =	shalt  }
0x81: {  	_ =	shalt  }
0x82: {  	_ =	shalt  }
0x83: {  	_ =	shalt  }
0x84: {  	_ =	shalt  }
0x85: {  	_ =	shalt  }
0x86: {  	_ =	shalt  }
0x87: {  	_ =	shalt  }
.Lfunc_end0:
.L_simem_size_0:
called_computation.1_lowered:
.L_overlay_start_0:
0x88: {  	s2 =	sld [smem:$0x3FD9]  }
0x89: {  	s3 =	sld [smem:$0x3FFE];
	_ =	sdelay $0x1  }
0x8a: {  	s1 =	srdreg.scid  }
0x8b: {  	s0 =	sand.u32 $0x1, s1  }
0x8c: {  	s17 =	sshll.u32 s0, $0xA;
	s2 =	sadd.s32 s3, s2  }
0x8d: {  	s2 =	sadd.s32 s2, s17  }
0x8e: {  	[smem:$0x3FB0] =	sst s2  }
0x8f: {  	_ = 	snop  }
0x90: {  	s2 =	sld [smem:$0x3FC9]  }
0x91: {  	s18 =	sld [smem:$0x3FC8];
	(tm) =	ssettm $0x1  }
0x92: {  	s4 =	sld [smem:$0x3FFB];
	_ =	sdelay $0x3  }
0x93: {  	_ =	strace s4  }
0x94: {  	s4 =	sld [smem:$0x3FFC];
	_ =	sdelay $0x3  }
0x95: {  	_ =	strace s4  }
0x96: {  	s4 =	sld [smem:$0x3FFD];
	_ =	sdelay $0x3  }
0x97: {  	_ =	strace s4  }
0x98: {  	_ =	strace $0x8FFFFFFF  }
0x99: {  	s19 =	sld [smem:$0x3FDB];
	_ =	sdelay $0x1  }
0x9a: {  	s5 =	simm.s32 $_scs_section_size  }
0x9b: {  	s6 =	simm.s32 $_size__tile_overlayer_lowered;
	s7 =	simm.s32 $_tile_overlayer_lowered  }
0x9c: {  	s22 =	simm.s32 $0x1BFF;
	s21 =	sshll.u32 s7, $0x1;
	s4 =	sadd.s32 s5, s19  }
0x9d: {  	s8 =	simm.s32 $0x0;
	s20 =	sshll.u32 s6, $0x1;
	s6 =	sadd.s32 s21, s4  }
0x9e: {  	[timem:s8], [sflag:s22] =	dma.local [hbm:s6], s20  }
0x9f: {  	_ =	swait.ge [sflag:s22], s20  }
0xa0: {  	s5 =	ssub.s32 $0x0, s20;
	[sflag:s22] =	ssyncset.done $0x0  }
0xa1: {  	[sflag:s22] =	ssyncadd.s32 s5;
	_ =	sdelay $0x1  }
0xa2: {  	s23 =	simm.s32 $0x1B8B  }
0xa3: {  	_ =	swait.ge [sflag:s23], $0x1  }
0xa4: {  	[sflag:s23] =	ssyncset.done $0x0  }
0xa5: {  	s25 =	simm.s32 $0x1B8E;
	s24 =	sld [smem:$0x3FFE];
	[sflag:s23] =	ssyncadd.s32 $0xFFFFFFFF  }
0xa6: {  	s26 =	simm.s32 $execute0_lowered;
	[smem:$0x3FD2] =	sst s25  }
0xa7: {  	s6 =	sshll.u32 s26, $0x1;
	_ =	strace $0x80000046;
	[dreg:$0x1] =	wrdreg $0xFFFFFFFF  }
0xa8: {  	s28 =	simm.s32 $_size_execute0_lowered;
	s4 =	sadd.s32 s4, s6;
	[dreg:$0x0] =	wrdreg $0x0  }
0xa9: {  	s6 =	sshll.u32 s28, $0x1;
	[dreg:$0x2] =	wrdreg s4  }
0xaa: {  	[dreg:$0x3] =	wrdreg s6  }
0xab: {  	[dreg:$0x4] =	wrdreg $0xC0  }
0xac: {  	_ =	task [dreg:s8], $0x5FFFF  }
0xad: {  	[dreg:$0x1] =	wrdreg $0xFFFFFFFF  }
0xae: {  	[dreg:$0x0] =	wrdreg $0x60  }
0xaf: {  	[dreg:$0x2] =	wrdreg s2  }
0xb0: {  	[dreg:$0x3] =	wrdreg s18  }
0xb1: {  	[dreg:$0x4] =	wrdreg s24  }
0xb2: {  	[dreg:$0x5] =	wrdreg $0xA  }
0xb3: {  	_ =	task.clear_ibuf [dreg:s8], $0x6FFFF;
	_ =	strace $0x90000046  }
0xb4: {  	s29 =	simm.s32 $0xA;
	_ =	strace $0x80000048  }
0xb5: {  	_ =	swait.ge [sflag:s29], $0x1  }
0xb6: {  	[sflag:s29] =	ssyncadd.s32 $0xFFFFFFFF  }
0xb7: {  	_ =	strace $0x90000048  }
0xb8: {  	_ =	sfence  }
0xb9: {  	s30 =	sld [smem:$0x0];
	_ =	sdelay $0x2  }
0xba: {  	s31 =	sshll.u32 s1, $0xD;
	s1 =	sshrl.u32 s1, $0x2  }
0xbb: {  	s3 =	sand.u32 $0x4000, s31;
	s1 =	sadd.s32 s1, s30  }
0xbc: {  	s0 =	sor.u32 s3, s0;
	s1 =	sshll.u32 s1, $0x11  }
0xbd: {  	s0 =	sor.u32 s1, s0  }
0xbe: {  	s0 =	sadd.s32 $0x8F2B, s0  }
0xbf: {  	[sflag:s0] =	ssyncadd.remote.s32 $0x1  }
0xc0: {  	_ =	sfence.sel $0xFFFF  }
0xc1: {  	[dreg:$0x0] =	wrdreg $0xFFFFFFFF;
	(pc) =	sbr.abs _section_cstart, $3  }
0xc2: {  	[dreg:$0x1] =	wrdreg $0xFFFFFFFF  }
0xc3: {  	_ =	task.clear_ibuf [dreg:s8], $0x2FFFF;
	_ =	strace $0x9FFFFFFF  }
0xc4: {  	(tm) =	ssettm $0x7FFFFFFF  }
0xc5: {  	_ =	shalt  }
tec
execute0_lowered:
.L_overlay_start_1:
0x0: {  	(tag) =	ssettag $0x1  }
0x1: {  	s0 =	rddreg [dreg:$0x0]  }
0x2: {  	s7 =	rddreg [dreg:$0x1]  }
0x3: {  	s9 =	rddreg [dreg:$0x2];
	s2 =	simm.s32 $0x0;
	s3 =	srdreg.scid  }
0x4: {  	s1 =	stileid.u32;
	s12 =	simm.s32 $0x200;
	s13 =	simm.s32 $0x40  }
0x5: {  	s14 =	simm.s32 $0x400;
	s15 =	simm.s32 $0x2400;
	s16 =	simm.s32 $0x1  }
0x6: {  	s17 =	simm.s32 $0x4400;
	s18 =	simm.s32 $0x6400;
	s19 =	simm.s32 $0x2  }
0x7: {  	s20 =	simm.s32 $0x3;
	s21 =	simm.s32 $0x4;
	s22 =	simm.s32 $0x0  }
0x8: {  	[smem:$0x7FF] =	sst s2;
	s4 =	sand.u32 $0x1, s3;
	s3 =	sadd.s32 $0x311800, s9  }
0x9: {  	s5 =	sshll.u32 s1, $0xA;
	_ =	strace $0x80000047;
	s6 =	sshll.u32 s4, $0x9  }
0xa: {  	s8 =	ssub.s32 $0x2, s4;
	s4 =	sor.u32 s6, s5;
	s5 =	sadd.s32 $0x4400, s9  }
0xb: {  	s31 =	sshrl.u32 s8, $0x1;
	s9 =	sadd.s32 $0x4408, s9;
	s10 =	sshrl.u32 s4, $0x3  }
0xc: {  	s11 =	ssub.s32 s8, s31;
	s8 =	sshll.u32 s4, $0x4;
	s6 =	sadd.s32 s0, s10  }
0xd: {  	s7 =	sadd.s32 s7, s10;
	s10 =	smax.u32 s11, $0x1;
	s11 =	simm.s32 $0x5  }
.LBB2_1:
0xe: {  	[tilespmem:s2], [sflag:$0x5] =	stream.linear.gather [hbm4b:s6+s2], $0x200, $0x38;
	[tilespmem:$0x8400] =	vst v63  }
0xf: {  	_ =	swait.ge [sflag:s11], $0x200  }
0x10: {  	[sflag:s11] =	ssyncset.done $0x0  }
0x11: {  	[sflag:s11] =	ssyncadd.s32 $0xFFFFFE00  }
0x12: {  	[tilespmem:s12], [sflag:$0x5] =	stream.linear.gather [hbm4b:s7+s2], $0x200, $0x38;
	[tilespmem:$0x8400] =	vst v63  }
0x13: {  	_ =	swait.ge [sflag:s11], $0x200  }
0x14: {  	[sflag:s11] =	ssyncset.done $0x0  }
0x15: {  	[sflag:s11] =	ssyncadd.s32 $0xFFFFFE00  }
0x16: {  	[tilespmem:s14], [sflag:$0x1] =	stream.indirect.gather [hbm4b:s3+s13], $0x80, s2, s13, $0xb8;
	[tilespmem:$0x8400] =	vst v63  }
0x17: {  	s23 =	simm.s32 $0x0  }
0x18: {  	[tilespmem:s15], [sflag:$0x1] =	stream.indirect.gather [hbm4b:s3+s13], $0x80, s12, s13, $0xb8;
	[tilespmem:$0x8400] =	vst v63  }
.LBB2_3:
0x19: {  	_ =	swait.ge [sflag:s16], $0x2000  }
0x1a: {  	[sflag:s16] =	ssyncset.done $0x0  }
0x1b: {  	[sflag:s16] =	ssyncadd.s32 $0xFFFFE000  }
0x1c: {  	_ =	swait.ge [sflag:s16], $0x2000  }
0x1d: {  	p0 =	seq.s32 s23, $0x0;
	[sflag:s16] =	ssyncset.done $0x0  }
0x1e: {  	s0 =	simm.s32 @!p0 $0x4;
	[sflag:s16] =	ssyncadd.s32 $0xFFFFE000  }
0x1f: {  	_ =	swait.ge @!p0 [sflag:s0], $0x1000  }
0x20: {  	[sflag:s0] =	ssyncset.done @!p0 $0x0  }
0x21: {  	[sflag:s0] =	ssyncadd.s32 @!p0 $0xFFFFF000  }
0x22: {  	_ =	swait.ge @!p0 [sflag:s0], $0x1000  }
0x23: {  	s24 =	sshll.u32 s23, $0x7;
	[sflag:s0] =	ssyncset.done @!p0 $0x0  }
0x24: {  	s25 =	sor.u32 $0x40, s24;
	[sflag:s0] =	ssyncadd.s32 @!p0 $0xFFFFF000  }
0x25: {  	[tilespmem:s17], [sflag:$0x2] =	stream.indirect.gather [hbm4b:s3+s13], $0x80, s25, s13, $0xb8;
	[tilespmem:$0x8400] =	vst v63  }
0x26: {  	s26 =	sadd.s32 $0x240, s24  }
0x27: {  	[tilespmem:s18], [sflag:$0x2] =	stream.indirect.gather [hbm4b:s3+s13], $0x80, s26, s13, $0xb8;
	[tilespmem:$0x8400] =	vst v63  }
0x28: {  	s26 =	sshll.u32 s23, $0xB  }
0x29: {  	s26 =	sadd.s32 s8, s26  }
0x2a: {  	s29 =	simm.s32 $0x400;
	s28 =	sadd.s32 s5, s26  }
0x2b: {  	s30 =	simm.s32 $0x10;
	s31 =	simm.s32 $0x480;
	s0 =	sadd.s32 $0x0, s28  }
.LBB2_4:
0x2c: {  	[hbm4b:s0+s2] =	stream.linear.scatter [tilespmem:s29], [sflag:$0x3], $0x40, $0x38;
	[tilespmem:$0x8400] =	vst v63  }
0x2d: {  	s0 =	smov.u32 s30;
	s29 =	smov.u32 s31;
	p0 =	sne.s32 s30, $0x3F0  }
.Ltmp0:
0x2e: {  	s30 =	sadd.s32 $0x10, s30;
	(pc) =	sbr.rel @p0 .LBB2_4-.Ltmp0, $2  }
0x2f: {  	_ =	sdelay $0x2  }
0x30: {  	s31 =	sadd.s32 $0x80, s31;
	s0 =	sadd.s32 s0, s28  }
0x31: {  	[hbm4b:s0+s2] =	stream.linear.scatter [tilespmem:s29], [sflag:$0x3], $0x40, $0x38;
	[tilespmem:$0x8400] =	vst v63  }
0x32: {  	s26 =	sadd.s32 s26, s9;
	s28 =	simm.s32 $0x2440  }
0x33: {  	s29 =	simm.s32 $0x10;
	s30 =	simm.s32 $0x24C0;
	s0 =	sadd.s32 $0x0, s26  }
.LBB2_6:
0x34: {  	[hbm4b:s0+s2] =	stream.linear.scatter [tilespmem:s28], [sflag:$0x3], $0x40, $0x38;
	[tilespmem:$0x8400] =	vst v63  }
0x35: {  	s0 =	smov.u32 s29;
	s28 =	smov.u32 s30;
	p0 =	sne.s32 s29, $0x3F0  }
.Ltmp1:
0x36: {  	s29 =	sadd.s32 $0x10, s29;
	(pc) =	sbr.rel @p0 .LBB2_6-.Ltmp1, $2  }
0x37: {  	_ =	sdelay $0x2  }
0x38: {  	s30 =	sadd.s32 $0x80, s30;
	s0 =	sadd.s32 s0, s26  }
0x39: {  	[hbm4b:s0+s2] =	stream.linear.scatter [tilespmem:s28], [sflag:$0x3], $0x40, $0x38;
	[tilespmem:$0x8400] =	vst v63  }
0x3a: {  	_ =	swait.ge [sflag:s19], $0x2000  }
0x3b: {  	[sflag:s19] =	ssyncset.done $0x0  }
0x3c: {  	[sflag:s19] =	ssyncadd.s32 $0xFFFFE000  }
0x3d: {  	_ =	swait.ge [sflag:s19], $0x2000  }
0x3e: {  	[sflag:s19] =	ssyncset.done $0x0  }
0x3f: {  	[sflag:s19] =	ssyncadd.s32 $0xFFFFE000  }
0x40: {  	_ =	swait.ge [sflag:s20], $0x1000  }
0x41: {  	[sflag:s20] =	ssyncset.done $0x0  }
0x42: {  	[sflag:s20] =	ssyncadd.s32 $0xFFFFF000  }
0x43: {  	p0 =	seq.s32 s23, $0x3;
	_ =	swait.ge [sflag:s20], $0x1000  }
0x44: {  	s0 =	sadd.s32 @!p0 $0x80, s24;
	[sflag:s20] =	ssyncset.done $0x0  }
0x45: {  	s26 =	simm.s32 @!p0 $0x40;
	s28 =	simm.s32 @!p0 $0x400;
	[sflag:s20] =	ssyncadd.s32 $0xFFFFF000  }
0x46: {  	[tilespmem:s28], [sflag:$0x1] =	stream.indirect.gather @!p0 [hbm4b:s3+s26], $0x80, s0, s26, $0xb8;
	[tilespmem:$0x8400] =	vst v63  }
0x47: {  	s31 =	sor.u32 s4, s25;
	s0 =	sadd.s32 @!p0 $0x280, s24;
	s24 =	simm.s32 @!p0 $0x2400  }
0x48: {  	[tilespmem:s24], [sflag:$0x1] =	stream.indirect.gather @!p0 [hbm4b:s3+s26], $0x80, s0, s26, $0xb8;
	[tilespmem:$0x8400] =	vst v63  }
0x49: {  	s24 =	sshll.u32 s31, $0x4  }
0x4a: {  	s23 =	sadd.s32 $0x1, s23;
	s29 =	simm.s32 $0x4480;
	s25 =	sadd.s32 s5, s24  }
0x4b: {  	s28 =	simm.s32 $0x10;
	s26 =	simm.s32 $0x4400;
	s0 =	sadd.s32 $0x0, s25  }
.LBB2_8:
0x4c: {  	[hbm4b:s0+s2] =	stream.linear.scatter [tilespmem:s26], [sflag:$0x4], $0x40, $0x38;
	[tilespmem:$0x8400] =	vst v63  }
0x4d: {  	s0 =	smov.u32 s28;
	s26 =	smov.u32 s29;
	p0 =	sne.s32 s28, $0x3F0  }
.Ltmp2:
0x4e: {  	s28 =	sadd.s32 $0x10, s28;
	(pc) =	sbr.rel @p0 .LBB2_8-.Ltmp2, $2  }
0x4f: {  	_ =	sdelay $0x2  }
0x50: {  	s29 =	sadd.s32 $0x80, s29;
	s0 =	sadd.s32 s0, s25  }
0x51: {  	[hbm4b:s0+s2] =	stream.linear.scatter [tilespmem:s26], [sflag:$0x4], $0x40, $0x38;
	[tilespmem:$0x8400] =	vst v63  }
0x52: {  	s24 =	sadd.s32 s24, s9;
	s25 =	simm.s32 $0x6440  }
0x53: {  	s26 =	simm.s32 $0x10;
	s28 =	simm.s32 $0x64C0;
	s0 =	sadd.s32 $0x0, s24  }
.LBB2_10:
0x54: {  	[hbm4b:s0+s2] =	stream.linear.scatter [tilespmem:s25], [sflag:$0x4], $0x40, $0x38;
	[tilespmem:$0x8400] =	vst v63  }
0x55: {  	s0 =	smov.u32 s26;
	s25 =	smov.u32 s28;
	p0 =	seq.s32 s26, $0x3F0  }
.Ltmp3:
0x56: {  	s26 =	sadd.s32 $0x10, s26;
	(pc) =	sbr.rel @!p0 .LBB2_10-.Ltmp3, $2  }
0x57: {  	_ =	sdelay $0x2  }
0x58: {  	s28 =	sadd.s32 $0x80, s28;
	s0 =	sadd.s32 s0, s24  }
0x59: {  	[hbm4b:s0+s2] =	stream.linear.scatter [tilespmem:s25], [sflag:$0x4], $0x40, $0x38;
	[tilespmem:$0x8400] =	vst v63  }
0x5a: {  	p0 =	seq.s32 s23, $0x4  }
.Ltmp4:
0x5b: {  	_ = 	snop;
	(pc) =	sbr.rel @!p0 .LBB2_3-.Ltmp4, $1  }
0x5c: {  	_ =	sdelay $0x3  }
0x5d: {  	s22 =	sadd.s32 $0x1, s22  }
0x5e: {  	_ =	swait.ge [sflag:s21], $0x1000;
	p0 =	sne.s32 s22, s10  }
.Ltmp5:
0x5f: {  	[sflag:s21] =	ssyncset.done $0x0;
	(pc) =	sbr.rel @p0 .LBB2_1-.Ltmp5, $4  }
0x60: {  	[sflag:s21] =	ssyncadd.s32 $0xFFFFF000  }
0x61: {  	_ =	swait.ge [sflag:s21], $0x1000  }
0x62: {  	[sflag:s21] =	ssyncset.done $0x0  }
0x63: {  	[sflag:s21] =	ssyncadd.s32 $0xFFFFF000  }
0x64: {  	_ =	sfence.sel $0x180000  }
0x65: {  	[bflag:$0x0] =	sbarrier.arrive $0xFFFF  }
0x66: {  	_ =	strace $0x90000047  }
0x67: {  	[bflag:$0x2] =	sbarrier.arrive $0xFFFF  }
0x68: {  	p0 =	sne.s32 s1, $0x0;
	s0 =	rddreg [dreg:$0x3]  }
0x69: {  	s0 =	sadd.s32 @!p0 $0x100000, s0  }
0x6a: {  	[sflag:s0] =	ssyncadd.tile.s32 @!p0 $0x1;
	_ =	shalt  }
.Lfunc_end2:
_tile_overlayer_lowered:
.L_overlay_start_2:
0x6b: {  	(tag) =	ssettag $0x2  }
0x6c: {  	s0 =	rddreg [dreg:$0x0];
	s2 =	stileid.u32  }
0x6d: {  	s1 =	rddreg [dreg:$0x1];
	p0 =	sne.s32 s2, $0x0  }
0x6e: {  	s3 =	rddreg [dreg:$0x2];
	[bflag:$0x3] =	sbarrier.arrive $0xFFFF;
	s2 =	simm.s32 @!p0 $0x1C05  }
0x6f: {  	[timem:s3], [sflag:s2] =	dma.local @!p0 [hbm:s0], s1  }
0x70: {  	s0 =	simm.s32 @!p0 $0x5  }
0x71: {  	_ =	swait.ge @!p0 [sflag:s0], s1  }
0x72: {  	s1 =	ssub.s32 @!p0 $0x0, s1;
	[sflag:s0] =	ssyncset.done @!p0 $0x0  }
0x73: {  	[sflag:s0] =	ssyncadd.s32 @!p0 s1  }
0x74: {  	[bflag:$0x3] =	sbarrier.arrive $0xFFFF  }
0x75: {  	_ =	shalt  }

</sc_bundles>
